<compile_context>
chip_gen: v7x
topology: tpu7x:2x2x1
jax: 0.10.2.dev20260603
libtpu: 0.0.44.dev20260713+nightly
codegen_flags: <defaults>
</compile_context>

<pallas_src>
import functools

import jax
import jax.numpy as jnp
import numpy as np
from jax import lax
from jax.experimental import pallas as pl
from jax.experimental.pallas import tpu as pltpu
from jax.experimental.pallas import tpu_sc as plsc

B, K, D, X, H = 128, 512, 64, 128, 256
BETA = 0.25

ROWS_PER_WORKER = 16
N_WORKERS = B // ROWS_PER_WORKER
N_CORES = 1


def _sc_gather_body(idx_hbm, trans_hbm, out_hbm, idx_v, rows_v, sem):
    wid = lax.axis_index("s") * N_CORES + lax.axis_index("c")

    @pl.when(wid < N_WORKERS)
    def _():
        base = wid * ROWS_PER_WORKER
        pltpu.sync_copy(idx_hbm.at[pl.ds(base, ROWS_PER_WORKER)], idx_v)
        pltpu.async_copy(trans_hbm.at[idx_v], rows_v, sem).wait()
        pltpu.sync_copy(rows_v, out_hbm.at[pl.ds(base, ROWS_PER_WORKER)])


@functools.cache
def _sc_gather():
    return pl.kernel(
        _sc_gather_body,
        out_type=jax.ShapeDtypeStruct((B, K), jnp.float32),
        mesh=plsc.VectorSubcoreMesh(core_axis_name="c", subcore_axis_name="s",
                                    num_cores=N_CORES),
        scratch_types=[
            pltpu.VMEM((ROWS_PER_WORKER,), jnp.int32),
            pltpu.VMEM((ROWS_PER_WORKER, K), jnp.float32),
            pltpu.SemaphoreType.DMA,
        ],
        compiler_params=pltpu.CompilerParams(use_tc_tiling_on_sc=True,
                                             needs_layout_passes=False),
    )


def _tc0_body(ks_ref, idx_ref):
    ks = ks_ref[...]
    iota_k = lax.broadcasted_iota(jnp.int32, (B, K), 1)
    kidx = jnp.min(jnp.where(ks > 0.5, iota_k, K), axis=1, keepdims=True)
    rows = lax.broadcasted_iota(jnp.int32, (B, 1), 0)
    idx_ref[...] = rows * K + kidx


_tc0_call = pl.pallas_call(
    _tc0_body,
    out_shape=jax.ShapeDtypeStruct((B, 1), jnp.int32),
)


_U32 = jnp.uint32
_ROT_A = (13, 15, 26, 6)
_ROT_B = (17, 29, 16, 24)


def _threefry_mix(ks0, ks1, x0, x1):
    ks2 = ks0 ^ ks1 ^ _U32(0x1BD11BDA)
    x0 = x0 + ks0
    x1 = x1 + ks1
    inject = [(ks1, ks2), (ks2, ks0), (ks0, ks1), (ks1, ks2), (ks2, ks0)]
    for g in range(5):
        for r in (_ROT_A if g % 2 == 0 else _ROT_B):
            x0 = x0 + x1
            x1 = (x1 << _U32(r)) | (x1 >> _U32(32 - r))
            x1 = x1 ^ x0
        i0, i1 = inject[g]
        x0 = x0 + i0
        x1 = x1 + i1 + _U32(g + 1)
    return x0, x1


def _tc1_body(key_ref, z_ref, xt_ref, w1_ref, b1_ref, w2_ref, b2_ref, w3_ref,
              b3_ref, ct_ref, gum_ref, gt_ref, qki_ref):
    f32 = jnp.float32
    ks0, ks1 = _threefry_mix(key_ref[0], key_ref[1], _U32(0), _U32(0))

    cnt = (lax.broadcasted_iota(_U32, (B, K), 0) * _U32(K)
           + lax.broadcasted_iota(_U32, (B, K), 1))
    b0, b1 = _threefry_mix(ks0, ks1, jnp.zeros((B, K), _U32), cnt)
    bits = b0 ^ b1
    fbits = (bits >> _U32(9)) | _U32(0x3F800000)
    floats = lax.bitcast_convert_type(fbits, f32) - 1.0
    tiny = jnp.float32(np.finfo(np.float32).tiny)
    u = jnp.maximum(tiny, floats * (jnp.float32(1.0) - tiny) + tiny)
    gum_ref[...] = -jnp.log(-jnp.log(u))

    h = jnp.concatenate([z_ref[...], xt_ref[...]], axis=1)
    bf16 = jnp.bfloat16
    g1 = jnp.tanh(jnp.dot(h.astype(bf16), w1_ref[...].astype(bf16),
                          preferred_element_type=f32) + b1_ref[...])
    g2 = jnp.tanh(jnp.dot(g1.astype(bf16), w2_ref[...].astype(bf16),
                          preferred_element_type=f32) + b2_ref[...])
    gt = jnp.dot(g2.astype(bf16), w3_ref[...].astype(bf16),
                 preferred_element_type=f32) + b3_ref[...]
    gt_ref[...] = gt

    acc = jnp.zeros((B, K), f32)
    for dd in range(D):
        a = gt[:, dd:dd + 1]
        cb = ct_ref[dd:dd + 1, :]
        acc = acc + (a - cb) ** 2
    dist = jnp.sqrt(acc)
    iota_k = lax.broadcasted_iota(jnp.int32, (B, K), 1)
    minv = jnp.min(dist, axis=1, keepdims=True)
    qki_ref[...] = jnp.min(jnp.where(dist == minv, iota_k, K), axis=1,
                           keepdims=True)


def _tc2_body(trow_ref, gum_ref, gt_ref, qki_ref, mask_ref, ct_ref,
              znew_ref, out2_ref, dkl_ref, qk_ref):
    f32 = jnp.float32
    iota_k = lax.broadcasted_iota(jnp.int32, (B, K), 1)
    qk_ind = qki_ref[...]
    qk_onehot = (iota_k == qk_ind).astype(f32)

    trow = trow_ref[...].astype(jnp.bfloat16).astype(f32)
    p = trow / jnp.sum(trow, axis=1, keepdims=True)
    logp = jnp.log(p)
    y = logp + gum_ref[...]
    maxy = jnp.max(y, axis=1, keepdims=True)
    pk_ind = jnp.min(jnp.where(y == maxy, iota_k, K), axis=1, keepdims=True)

    sel = jnp.where(mask_ref[...] > 0, qk_ind, pk_ind)
    sel_onehot = (iota_k == sel).astype(f32)
    z_new = lax.dot_general(sel_onehot.astype(jnp.bfloat16),
                            ct_ref[...].astype(jnp.bfloat16),
                            (((1,), (1,)), ((), ())),
                            preferred_element_type=f32)

    gt = gt_ref[...]
    dkl = -jnp.sum(qk_onehot * logp, axis=1, keepdims=True)
    kl = (1.0 + BETA) * jnp.sqrt(jnp.sum((gt - z_new) ** 2, axis=1, keepdims=True))

    znew_ref[...] = jnp.transpose(z_new, (1, 0))
    out2_ref[...] = jnp.transpose(kl + dkl, (1, 0))
    dkl_ref[...] = jnp.transpose(dkl, (1, 0))
    qk_ref[...] = qk_onehot


def _tc1_call():
    specs = [pl.BlockSpec(memory_space=pltpu.SMEM)] + [pl.BlockSpec()] * 9
    return pl.pallas_call(
        _tc1_body,
        in_specs=specs,
        out_shape=(
            jax.ShapeDtypeStruct((B, K), jnp.float32),
            jax.ShapeDtypeStruct((B, D), jnp.float32),
            jax.ShapeDtypeStruct((B, 1), jnp.int32),
        ),
    )


_tc2_call = pl.pallas_call(
    _tc2_body,
    out_shape=(
        jax.ShapeDtypeStruct((D, B), jnp.float32),
        jax.ShapeDtypeStruct((1, B), jnp.float32),
        jax.ShapeDtypeStruct((1, B), jnp.float32),
        jax.ShapeDtypeStruct((B, K), jnp.float32),
    ),
)


def kernel(temp, rng, z_sample, k_sample, transition, start_pk, xt, eps, mask, C, W1, b1, W2, b2, W3, b3):
    key_raw = jax.random.key_data(rng).astype(jnp.uint32)
    ct = C.T

    row_idx = _tc0_call(k_sample).reshape(B)
    trow = _sc_gather()(row_idx, transition.reshape(B * K, K))
    gum, gt, qk_ind = _tc1_call()(
        key_raw, z_sample, xt, W1, b1.reshape(1, H), W2, b2.reshape(1, H),
        W3, b3.reshape(1, D), ct)
    z_new_t, out2, dkl, qk = _tc2_call(
        trow, gum, gt, qk_ind, mask.astype(jnp.int32).reshape(B, 1), ct)
    return z_new_t.T, out2.reshape(B), dkl.reshape(B), qk

# --- scband reference (transcript-rebuilt; emitter-appended) ---
"""Pipeline reference for scband-vqsldscell-37271726195427 (READ-ONLY COPY).

The authoritative reference and input builder live on the scoring server;
editing this copy changes nothing except your own understanding.
"""

import jax, jax.numpy as jnp
import numpy as np

B, K, D, X, H = 128, 512, 64, 128, 256
BETA = 0.25

def setup_inputs(seed: int = 0):
    key = jax.random.key(seed)
    ks = jax.random.split(key, 11)
    z_sample = jax.random.normal(ks[0], (B, D), dtype=jnp.float32)
    kidx = jax.random.randint(ks[1], (B,), 0, K)
    k_sample = jax.nn.one_hot(kidx, K, dtype=jnp.float32)
    transition = jax.random.uniform(ks[2], (B, K, K), minval=0.01, maxval=1.0, dtype=jnp.float32)
    start_pk = jax.random.uniform(ks[3], (B, K), minval=0.01, maxval=1.0, dtype=jnp.float32)
    start_pk = start_pk / start_pk.sum(axis=-1, keepdims=True)
    xt = jax.random.normal(ks[4], (B, X), dtype=jnp.float32)
    eps = jax.random.normal(ks[5], (B, D), dtype=jnp.float32)
    mask = jax.random.randint(ks[6], (B,), 0, 2).astype(bool)
    C = jax.random.normal(ks[7], (K, D), dtype=jnp.float32)
    W1 = jax.random.normal(ks[8], (D + X, H), dtype=jnp.float32) / jnp.sqrt(D + X)
    b1 = jnp.zeros((H,), jnp.float32)
    W2 = jax.random.normal(ks[9], (H, H), dtype=jnp.float32) / jnp.sqrt(H)
    b2 = jnp.zeros((H,), jnp.float32)
    W3 = jax.random.normal(ks[10], (H, D), dtype=jnp.float32) / jnp.sqrt(H)
    b3 = jnp.zeros((D,), jnp.float32)
    temp = jnp.float32(1.0)
    rng = jax.random.key(1)
    return {"temp": temp, "rng": rng, "z_sample": z_sample, "k_sample": k_sample, "transition": transition, "start_pk": start_pk, "xt": xt, "eps": eps, "mask": mask, "C": C, "W1": W1, "b1": b1, "W2": W2, "b2": b2, "W3": W3, "b3": b3}

def reference(temp, rng, z_sample, k_sample, transition, start_pk, xt, eps, mask, C, W1, b1, W2, b2, W3, b3):
    k_rng, z_rng, rng = jax.random.split(rng, 3)
    zf = jnp.where(jnp.isfinite(z_sample), z_sample, jnp.zeros_like(z_sample))
    kf = jnp.where(jnp.isfinite(k_sample), k_sample, jnp.ones_like(k_sample))
    # SmallTanhNet(ez_size, latent_D): gt = e(z, x)
    h = jnp.concatenate([zf, xt], axis=-1)
    gt = jnp.tanh(h @ W1 + b1)
    gt = jnp.tanh(gt @ W2 + b2)
    gt = gt @ W3 + b3
    # vector quantization against codebook C [K, D]
    distances = jnp.sqrt(jnp.sum(jnp.abs(gt[:, None, :] - C[None, :, :]) ** 2, axis=-1))
    qk_ind = jnp.argmin(distances, axis=-1)
    qk_sample = jax.nn.one_hot(qk_ind, K, dtype=jnp.float32)
    # prior over discrete states
    pk_gammat = jnp.einsum('nk,nkj->nj', kf, transition)
    pk_gammat = pk_gammat / pk_gammat.sum(axis=-1, keepdims=True)
    pk_gammat = jnp.where(jnp.isfinite(k_sample), pk_gammat, start_pk)
    pk_idx = jax.random.categorical(k_rng, jnp.log(pk_gammat), axis=-1)
    pk_sample = jax.nn.one_hot(pk_idx, K, dtype=jnp.float32)
    k_new = jnp.where(mask[:, None], qk_sample, pk_sample)
    # discrete_iwae_kl (computed in the original forward but not in outputs):
    log_q_safe = jnp.log(jnp.where(qk_sample > 0, qk_sample, 1.0)) + jnp.where(qk_sample > 0, 0.0, -jnp.inf)
    discrete_iwae_kl = jnp.sum(k_new * log_q_safe, axis=-1) - jnp.sum(k_new * jnp.log(pk_gammat), axis=-1)
    # KL(Categorical(qk_sample) || Categorical(pk_gammat)) with xlogy-safe handling
    discrete_kl = jnp.sum(jnp.where(qk_sample > 0, qk_sample * (jnp.log(jnp.where(qk_sample > 0, qk_sample, 1.0)) - jnp.log(pk_gammat)), 0.0), axis=-1)
    z_new = jnp.dot(k_new, C)
    kl = jnp.sqrt(jnp.sum(jnp.abs(jax.lax.stop_gradient(gt) - z_new) ** 2, axis=-1))
    kl = kl + BETA * jnp.sqrt(jnp.sum(jnp.abs(gt - jax.lax.stop_gradient(z_new)) ** 2, axis=-1))
    return (z_new, kl + discrete_kl, discrete_kl, qk_sample)

if __name__ == "__main__":
    import jax
    _d = setup_inputs()
    print(jax.jit(kernel)(*tuple(_d.values())))

</pallas_src>

<mosaic_0001>
#map = affine_map<(d0, d1) -> (0)>
#map1 = affine_map<(d0, d1) -> (0, 0)>
module attributes {stable_mosaic.version = 14 : i64} {
  func.func @_sc_gather_body(%arg0: i32, %arg1: i32, %arg2: memref<128xi32, #tpu.memory_space<hbm>>, %arg3: memref<65536x512xf32, #tpu.memory_space<hbm>>, %arg4: memref<128x512xf32, #tpu.memory_space<hbm>>, %arg5: memref<16xi32, #tpu.memory_space<vmem>>, %arg6: memref<16x512xf32, #tpu.memory_space<vmem>>, %arg7: memref<!tpu.dma_semaphore, #tpu.memory_space<semaphore_mem>>) attributes {dimension_semantics = [#tpu.dimension_semantics<core_parallel>, #tpu.dimension_semantics<subcore_parallel>], iteration_bounds = array<i64: 1, 16>, scalar_prefetch = 0 : i64, scratch_operands = 3 : i64, tpu.core_type = #tpu.core_type<sc_vector_subcore>, window_params = [{transform_indices = #map}, {transform_indices = #map1}, {transform_indices = #map1}]} {
    %mul3A = arith.constant 1 : i32
    %mul3A_0 = arith.muli %arg1, %mul3A : i32
    %add3A = arith.addi %mul3A_0, %arg0 : i32
    %lt3A = arith.constant 8 : i32
    %lt3A_1 = arith.cmpi slt, %add3A, %lt3A : i32
    %convert_element_type3A = arith.extui %lt3A_1 : i1 to i32
    %cond3A = arith.constant 0 : i32
    %cond3A_2 = arith.cmpi ne, %convert_element_type3A, %cond3A : i32
    scf.if %cond3A_2 {
      %mul3A_3 = arith.constant 16 : i32
      %mul3A_4 = arith.muli %add3A, %mul3A_3 : i32
      "tpu.region"() ({
        %run_scoped3A = tpu.sem_alloc : memref<!tpu.dma_semaphore, #tpu.memory_space<semaphore_mem>>
        %dma_start3A_9 = tpu.memref_slice %arg2[%mul3A_4] : memref<128xi32, #tpu.memory_space<hbm>> -> memref<16xi32, #tpu.memory_space<hbm>>
        %dma_start3A_10 = tpu.memref_slice %arg2[%mul3A_4] : memref<128xi32, #tpu.memory_space<hbm>> -> memref<16xi32, #tpu.memory_space<hbm>>
        tpu.enqueue_dma source(%dma_start3A_10 : memref<16xi32, #tpu.memory_space<hbm>>) target(%arg5 : memref<16xi32, #tpu.memory_space<vmem>>) target_semaphore(%run_scoped3A : memref<!tpu.dma_semaphore, #tpu.memory_space<semaphore_mem>>)
        %dma_wait3A_11 = tpu.memref_slice %arg2[%mul3A_4] : memref<128xi32, #tpu.memory_space<hbm>> -> memref<16xi32, #tpu.memory_space<hbm>>
        %dma_wait3A_12 = tpu.memref_slice %arg2[%mul3A_4] : memref<128xi32, #tpu.memory_space<hbm>> -> memref<16xi32, #tpu.memory_space<hbm>>
        tpu.wait_dma2 semaphore(%run_scoped3A : memref<!tpu.dma_semaphore, #tpu.memory_space<semaphore_mem>>) src(%dma_wait3A_12 : memref<16xi32, #tpu.memory_space<hbm>>) dst(%arg5 : memref<16xi32, #tpu.memory_space<vmem>>)
        tpu.yield
      }) : () -> ()
      %dma_start3A = arith.constant 0 : i32
      %dma_start3A_5 = arith.constant 0 : i32
      %dma_start3A_6 = tpu.memref_slice %arg3[%dma_start3A, %dma_start3A_5] : memref<65536x512xf32, #tpu.memory_space<hbm>> -> memref<65536x512xf32, #tpu.memory_space<hbm>>
      tpu.enqueue_indirect_dma source(%dma_start3A_6 : memref<65536x512xf32, #tpu.memory_space<hbm>>) target(%arg6 : memref<16x512xf32, #tpu.memory_space<vmem>>) offsets(%arg5 : memref<16xi32, #tpu.memory_space<vmem>>) semaphore(%arg7 : memref<!tpu.dma_semaphore, #tpu.memory_space<semaphore_mem>>)
      %dma_wait3A = arith.constant 0 : i32
      %dma_wait3A_7 = arith.constant 0 : i32
      %dma_wait3A_8 = tpu.memref_slice %arg3[%dma_wait3A, %dma_wait3A_7] : memref<65536x512xf32, #tpu.memory_space<hbm>> -> memref<65536x512xf32, #tpu.memory_space<hbm>>
      tpu.wait_indirect_dma semaphore(%arg7 : memref<!tpu.dma_semaphore, #tpu.memory_space<semaphore_mem>>) src(%dma_wait3A_8 : memref<65536x512xf32, #tpu.memory_space<hbm>>) dst(%arg6 : memref<16x512xf32, #tpu.memory_space<vmem>>)
      "tpu.region"() ({
        %run_scoped3A = tpu.sem_alloc : memref<!tpu.dma_semaphore, #tpu.memory_space<semaphore_mem>>
        %dma_start3A_9 = arith.constant 0 : i32
        %dma_start3A_10 = tpu.memref_slice %arg4[%mul3A_4, %dma_start3A_9] : memref<128x512xf32, #tpu.memory_space<hbm>> -> memref<16x512xf32, #tpu.memory_space<hbm>>
        %dma_start3A_11 = arith.constant 0 : i32
        %dma_start3A_12 = tpu.memref_slice %arg4[%mul3A_4, %dma_start3A_11] : memref<128x512xf32, #tpu.memory_space<hbm>> -> memref<16x512xf32, #tpu.memory_space<hbm>>
        tpu.enqueue_dma source(%arg6 : memref<16x512xf32, #tpu.memory_space<vmem>>) target(%dma_start3A_12 : memref<16x512xf32, #tpu.memory_space<hbm>>) target_semaphore(%run_scoped3A : memref<!tpu.dma_semaphore, #tpu.memory_space<semaphore_mem>>)
        %dma_wait3A_13 = arith.constant 0 : i32
        %dma_wait3A_14 = tpu.memref_slice %arg4[%mul3A_4, %dma_wait3A_13] : memref<128x512xf32, #tpu.memory_space<hbm>> -> memref<16x512xf32, #tpu.memory_space<hbm>>
        %dma_wait3A_15 = arith.constant 0 : i32
        %dma_wait3A_16 = tpu.memref_slice %arg4[%mul3A_4, %dma_wait3A_15] : memref<128x512xf32, #tpu.memory_space<hbm>> -> memref<16x512xf32, #tpu.memory_space<hbm>>
        tpu.wait_dma2 semaphore(%run_scoped3A : memref<!tpu.dma_semaphore, #tpu.memory_space<semaphore_mem>>) src(%arg6 : memref<16x512xf32, #tpu.memory_space<vmem>>) dst(%dma_wait3A_16 : memref<16x512xf32, #tpu.memory_space<hbm>>)
        tpu.yield
      }) : () -> ()
    } else {
    }
    return
  }
}

module attributes {stable_mosaic.version = 14 : i64} {
  func.func @_tc0_body(%arg0: memref<128x512xf32, #tpu.memory_space<vmem>>, %arg1: memref<128x1xi32, #tpu.memory_space<vmem>>) attributes {dimension_semantics = [], scalar_prefetch = 0 : i64, scratch_operands = 0 : i64, tpu.core_type = #tpu.core_type<tc>} {
    %get3A = arith.constant 0 : index
    %get3A_0 = arith.constant 0 : index
    %get3A_1 = vector.load %arg0[%get3A, %get3A_0] : memref<128x512xf32, #tpu.memory_space<vmem>>, vector<128x512xf32>
    %iota3A = tpu.iota {dimensions = array<i32: 1>} : vector<128x512xi32>
    %gt3A = arith.constant 5.000000e-01 : f32
    %gt3A_2 = vector.broadcast %gt3A : f32 to vector<128x512xf32>
    %gt3A_3 = arith.cmpf ogt, %get3A_1, %gt3A_2 : vector<128x512xf32>
    %jit3A = arith.constant 512 : i32
    %broadcast_in_dim3A = vector.broadcast %jit3A : i32 to vector<128x512xi32>
    %select_n3A = arith.select %gt3A_3, %iota3A, %broadcast_in_dim3A : vector<128x512xi1>, vector<128x512xi32>
    %reduce_min3A = arith.constant dense<2147483647> : vector<128xi32>
    %reduce_min3A_4 = vector.multi_reduction <minsi>, %select_n3A, %reduce_min3A [1] : vector<128x512xi32> to vector<128xi32>
    %broadcast_in_dim3A_5 = vector.shape_cast %reduce_min3A_4 : vector<128xi32> to vector<128x1xi32>
    %iota3A_6 = tpu.iota {dimensions = array<i32: 0>} : vector<128x1xi32>
    %mul3A = arith.constant 512 : i32
    %mul3A_7 = vector.broadcast %mul3A : i32 to vector<128x1xi32>
    %mul3A_8 = arith.muli %iota3A_6, %mul3A_7 : vector<128x1xi32>
    %add3A = arith.addi %mul3A_8, %broadcast_in_dim3A_5 : vector<128x1xi32>
    %swap3A = arith.constant 0 : index
    %swap3A_9 = arith.constant 0 : index
    %swap3A_10 = vector.load %arg1[%swap3A, %swap3A_9] : memref<128x1xi32, #tpu.memory_space<vmem>>, vector<128x1xi32>
    tpu.vector_store %arg1[%swap3A, %swap3A_9], %add3A {strides = array<i32>} : memref<128x1xi32, #tpu.memory_space<vmem>>, vector<128x1xi32>,
    return
  }
}

module attributes {stable_mosaic.version = 14 : i64} {
  func.func @_tc2_body(%arg0: memref<128x512xf32, #tpu.memory_space<vmem>>, %arg1: memref<128x512xf32, #tpu.memory_space<vmem>>, %arg2: memref<128x64xf32, #tpu.memory_space<vmem>>, %arg3: memref<128x1xi32, #tpu.memory_space<vmem>>, %arg4: memref<128x1xi32, #tpu.memory_space<vmem>>, %arg5: memref<64x512xf32, #tpu.memory_space<vmem>>, %arg6: memref<64x128xf32, #tpu.memory_space<vmem>>, %arg7: memref<1x128xf32, #tpu.memory_space<vmem>>, %arg8: memref<1x128xf32, #tpu.memory_space<vmem>>, %arg9: memref<128x512xf32, #tpu.memory_space<vmem>>) attributes {dimension_semantics = [], scalar_prefetch = 0 : i64, scratch_operands = 0 : i64, tpu.core_type = #tpu.core_type<tc>} {
    %iota3A = tpu.iota {dimensions = array<i32: 1>} : vector<128x512xi32>
    %get3A = arith.constant 0 : index
    %get3A_0 = arith.constant 0 : index
    %get3A_1 = vector.load %arg3[%get3A, %get3A_0] : memref<128x1xi32, #tpu.memory_space<vmem>>, vector<128x1xi32>
    %eq3A = vector.broadcast %get3A_1 : vector<128x1xi32> to vector<128x512xi32>
    %eq3A_2 = arith.cmpi eq, %iota3A, %eq3A : vector<128x512xi32>
    %convert_element_type3A = arith.extui %eq3A_2 : vector<128x512xi1> to vector<128x512xi32>
    %convert_element_type3A_3 = arith.sitofp %convert_element_type3A : vector<128x512xi32> to vector<128x512xf32>
    %get3A_4 = arith.constant 0 : index
    %get3A_5 = arith.constant 0 : index
    %get3A_6 = vector.load %arg0[%get3A_4, %get3A_5] : memref<128x512xf32, #tpu.memory_space<vmem>>, vector<128x512xf32>
    %convert_element_type3A_7 = arith.truncf %get3A_6 : vector<128x512xf32> to vector<128x512xbf16>
    %convert_element_type3A_8 = arith.extf %convert_element_type3A_7 : vector<128x512xbf16> to vector<128x512xf32>
    %reduce_sum3A = arith.constant dense<0.000000e+00> : vector<128xf32>
    %reduce_sum3A_9 = vector.multi_reduction <add>, %convert_element_type3A_8, %reduce_sum3A [1] : vector<128x512xf32> to vector<128xf32>
    %broadcast_in_dim3A = vector.shape_cast %reduce_sum3A_9 : vector<128xf32> to vector<128x1xf32>
    %div3A = vector.broadcast %broadcast_in_dim3A : vector<128x1xf32> to vector<128x512xf32>
    %div3A_10 = arith.divf %convert_element_type3A_8, %div3A : vector<128x512xf32>
    %log3A = math.log %div3A_10 : vector<128x512xf32>
    %get3A_11 = arith.constant 0 : index
    %get3A_12 = arith.constant 0 : index
    %get3A_13 = vector.load %arg1[%get3A_11, %get3A_12] : memref<128x512xf32, #tpu.memory_space<vmem>>, vector<128x512xf32>
    %add3A = arith.addf %log3A, %get3A_13 : vector<128x512xf32>
    %reduce_max3A = arith.constant dense<0xFF800000> : vector<128xf32>
    %reduce_max3A_14 = vector.multi_reduction <maximumf>, %add3A, %reduce_max3A [1] : vector<128x512xf32> to vector<128xf32>
    %broadcast_in_dim3A_15 = vector.shape_cast %reduce_max3A_14 : vector<128xf32> to vector<128x1xf32>
    %eq3A_16 = vector.broadcast %broadcast_in_dim3A_15 : vector<128x1xf32> to vector<128x512xf32>
    %eq3A_17 = arith.cmpf oeq, %add3A, %eq3A_16 : vector<128x512xf32>
    %jit3A = arith.constant 512 : i32
    %broadcast_in_dim3A_18 = vector.broadcast %jit3A : i32 to vector<128x512xi32>
    %select_n3A = arith.select %eq3A_17, %iota3A, %broadcast_in_dim3A_18 : vector<128x512xi1>, vector<128x512xi32>
    %reduce_min3A = arith.constant dense<2147483647> : vector<128xi32>
    %reduce_min3A_19 = vector.multi_reduction <minsi>, %select_n3A, %reduce_min3A [1] : vector<128x512xi32> to vector<128xi32>
    %broadcast_in_dim3A_20 = vector.shape_cast %reduce_min3A_19 : vector<128xi32> to vector<128x1xi32>
    %get3A_21 = arith.constant 0 : index
    %get3A_22 = arith.constant 0 : index
    %get3A_23 = vector.load %arg4[%get3A_21, %get3A_22] : memref<128x1xi32, #tpu.memory_space<vmem>>, vector<128x1xi32>
    %gt3A = arith.constant 0 : i32
    %gt3A_24 = vector.broadcast %gt3A : i32 to vector<128x1xi32>
    %gt3A_25 = arith.cmpi sgt, %get3A_23, %gt3A_24 : vector<128x1xi32>
    %select_n3A_26 = arith.select %gt3A_25, %get3A_1, %broadcast_in_dim3A_20 : vector<128x1xi1>, vector<128x1xi32>
    %eq3A_27 = vector.broadcast %select_n3A_26 : vector<128x1xi32> to vector<128x512xi32>
    %eq3A_28 = arith.cmpi eq, %iota3A, %eq3A_27 : vector<128x512xi32>
    %convert_element_type3A_29 = arith.extui %eq3A_28 : vector<128x512xi1> to vector<128x512xi32>
    %convert_element_type3A_30 = arith.sitofp %convert_element_type3A_29 : vector<128x512xi32> to vector<128x512xf32>
    %convert_element_type3A_31 = arith.truncf %convert_element_type3A_30 : vector<128x512xf32> to vector<128x512xbf16>
    %get3A_32 = arith.constant 0 : index
    %get3A_33 = arith.constant 0 : index
    %get3A_34 = vector.load %arg5[%get3A_32, %get3A_33] : memref<64x512xf32, #tpu.memory_space<vmem>>, vector<64x512xf32>
    %convert_element_type3A_35 = arith.truncf %get3A_34 : vector<64x512xf32> to vector<64x512xbf16>
    %dot_general3A = arith.constant dense<0.000000e+00> : vector<128x64xf32>
    %dot_general3A_36 = tpu.matmul %convert_element_type3A_31, %convert_element_type3A_35, %dot_general3A {dimension_numbers = #tpu.dot_dimension_numbers<[1], [1], [0], [0], [0, 0, 1, 0], [], []>, transpose_lhs_hint = false} : vector<128x512xbf16>, vector<64x512xbf16>, vector<128x64xf32> -> vector<128x64xf32>
    %get3A_37 = arith.constant 0 : index
    %get3A_38 = arith.constant 0 : index
    %get3A_39 = vector.load %arg2[%get3A_37, %get3A_38] : memref<128x64xf32, #tpu.memory_space<vmem>>, vector<128x64xf32>
    %mul3A = arith.mulf %convert_element_type3A_3, %log3A : vector<128x512xf32>
    %reduce_sum3A_40 = arith.constant dense<0.000000e+00> : vector<128xf32>
    %reduce_sum3A_41 = vector.multi_reduction <add>, %mul3A, %reduce_sum3A_40 [1] : vector<128x512xf32> to vector<128xf32>
    %broadcast_in_dim3A_42 = vector.shape_cast %reduce_sum3A_41 : vector<128xf32> to vector<128x1xf32>
    %neg3A = arith.constant 0.000000e+00 : f32
    %neg3A_43 = vector.broadcast %neg3A : f32 to vector<128x1xf32>
    %neg3A_44 = arith.subf %neg3A_43, %broadcast_in_dim3A_42 : vector<128x1xf32>
    %sub3A = arith.subf %get3A_39, %dot_general3A_36 : vector<128x64xf32>
    %integer_pow3A = arith.mulf %sub3A, %sub3A : vector<128x64xf32>
    %reduce_sum3A_45 = arith.constant dense<0.000000e+00> : vector<128xf32>
    %reduce_sum3A_46 = vector.multi_reduction <add>, %integer_pow3A, %reduce_sum3A_45 [1] : vector<128x64xf32> to vector<128xf32>
    %broadcast_in_dim3A_47 = vector.shape_cast %reduce_sum3A_46 : vector<128xf32> to vector<128x1xf32>
    %sqrt3A = math.sqrt %broadcast_in_dim3A_47 : vector<128x1xf32>
    %mul3A_48 = arith.constant 1.250000e+00 : f32
    %mul3A_49 = vector.broadcast %mul3A_48 : f32 to vector<128x1xf32>
    %mul3A_50 = arith.mulf %mul3A_49, %sqrt3A : vector<128x1xf32>
    %transpose3A = tpu.transpose %dot_general3A_36, [1, 0] : vector<128x64xf32> -> vector<64x128xf32>
    %swap3A = arith.constant 0 : index
    %swap3A_51 = arith.constant 0 : index
    %swap3A_52 = vector.load %arg6[%swap3A, %swap3A_51] : memref<64x128xf32, #tpu.memory_space<vmem>>, vector<64x128xf32>
    tpu.vector_store %arg6[%swap3A, %swap3A_51], %transpose3A {strides = array<i32>} : memref<64x128xf32, #tpu.memory_space<vmem>>, vector<64x128xf32>,
    %add3A_53 = arith.addf %mul3A_50, %neg3A_44 : vector<128x1xf32>
    %transpose3A_54 = tpu.transpose %add3A_53, [1, 0] : vector<128x1xf32> -> vector<1x128xf32>
    %swap3A_55 = arith.constant 0 : index
    %swap3A_56 = arith.constant 0 : index
    %swap3A_57 = vector.load %arg7[%swap3A_55, %swap3A_56] : memref<1x128xf32, #tpu.memory_space<vmem>>, vector<1x128xf32>
    tpu.vector_store %arg7[%swap3A_55, %swap3A_56], %transpose3A_54 {strides = array<i32>} : memref<1x128xf32, #tpu.memory_space<vmem>>, vector<1x128xf32>,
    %transpose3A_58 = tpu.transpose %neg3A_44, [1, 0] : vector<128x1xf32> -> vector<1x128xf32>
    %swap3A_59 = arith.constant 0 : index
    %swap3A_60 = arith.constant 0 : index
    %swap3A_61 = vector.load %arg8[%swap3A_59, %swap3A_60] : memref<1x128xf32, #tpu.memory_space<vmem>>, vector<1x128xf32>
    tpu.vector_store %arg8[%swap3A_59, %swap3A_60], %transpose3A_58 {strides = array<i32>} : memref<1x128xf32, #tpu.memory_space<vmem>>, vector<1x128xf32>,
    %swap3A_62 = arith.constant 0 : index
    %swap3A_63 = arith.constant 0 : index
    %swap3A_64 = vector.load %arg9[%swap3A_62, %swap3A_63] : memref<128x512xf32, #tpu.memory_space<vmem>>, vector<128x512xf32>
    tpu.vector_store %arg9[%swap3A_62, %swap3A_63], %convert_element_type3A_3 {strides = array<i32>} : memref<128x512xf32, #tpu.memory_space<vmem>>, vector<128x512xf32>,
    return
  }
}

module attributes {stable_mosaic.version = 14 : i64} {
  func.func @_tc1_body(%arg0: memref<2xi32, #tpu.memory_space<smem>>, %arg1: memref<128x64xf32, #tpu.memory_space<vmem>>, %arg2: memref<128x128xf32, #tpu.memory_space<vmem>>, %arg3: memref<192x256xf32, #tpu.memory_space<vmem>>, %arg4: memref<1x256xf32, #tpu.memory_space<vmem>>, %arg5: memref<256x256xf32, #tpu.memory_space<vmem>>, %arg6: memref<1x256xf32, #tpu.memory_space<vmem>>, %arg7: memref<256x64xf32, #tpu.memory_space<vmem>>, %arg8: memref<1x64xf32, #tpu.memory_space<vmem>>, %arg9: memref<64x512xf32, #tpu.memory_space<vmem>>, %arg10: memref<128x512xf32, #tpu.memory_space<vmem>>, %arg11: memref<128x64xf32, #tpu.memory_space<vmem>>, %arg12: memref<128x1xi32, #tpu.memory_space<vmem>>) attributes {dimension_semantics = [], scalar_prefetch = 0 : i64, scratch_operands = 0 : i64, tpu.core_type = #tpu.core_type<tc>} {
    %get3A = arith.constant 0 : index
    %get3A_0 = memref.load %arg0[%get3A] : memref<2xi32, #tpu.memory_space<smem>>
    %get3A_1 = arith.constant 1 : index
    %get3A_2 = memref.load %arg0[%get3A_1] : memref<2xi32, #tpu.memory_space<smem>>
    %xor3A = arith.xori %get3A_0, %get3A_2 : i32
    %xor3A_3 = arith.constant 466688986 : i32
    %xor3A_4 = arith.xori %xor3A, %xor3A_3 : i32
    %add3A = arith.constant 0 : i32
    %add3A_5 = arith.addi %add3A, %get3A_0 : i32
    %add3A_6 = arith.constant 0 : i32
    %add3A_7 = arith.addi %add3A_6, %get3A_2 : i32
    %add3A_8 = arith.addi %add3A_5, %add3A_7 : i32
    %shift_left3A = arith.constant 13 : i32
    %shift_left3A_9 = arith.shli %add3A_7, %shift_left3A : i32
    %shift_right_logical3A = arith.constant 19 : i32
    %shift_right_logical3A_10 = arith.shrui %add3A_7, %shift_right_logical3A : i32
    %or3A = arith.ori %shift_left3A_9, %shift_right_logical3A_10 : i32
    %xor3A_11 = arith.xori %or3A, %add3A_8 : i32
    %add3A_12 = arith.addi %add3A_8, %xor3A_11 : i32
    %shift_left3A_13 = arith.constant 15 : i32
    %shift_left3A_14 = arith.shli %xor3A_11, %shift_left3A_13 : i32
    %shift_right_logical3A_15 = arith.constant 17 : i32
    %shift_right_logical3A_16 = arith.shrui %xor3A_11, %shift_right_logical3A_15 : i32
    %or3A_17 = arith.ori %shift_left3A_14, %shift_right_logical3A_16 : i32
    %xor3A_18 = arith.xori %or3A_17, %add3A_12 : i32
    %add3A_19 = arith.addi %add3A_12, %xor3A_18 : i32
    %shift_left3A_20 = arith.constant 26 : i32
    %shift_left3A_21 = arith.shli %xor3A_18, %shift_left3A_20 : i32
    %shift_right_logical3A_22 = arith.constant 6 : i32
    %shift_right_logical3A_23 = arith.shrui %xor3A_18, %shift_right_logical3A_22 : i32
    %or3A_24 = arith.ori %shift_left3A_21, %shift_right_logical3A_23 : i32
    %xor3A_25 = arith.xori %or3A_24, %add3A_19 : i32
    %add3A_26 = arith.addi %add3A_19, %xor3A_25 : i32
    %shift_left3A_27 = arith.constant 6 : i32
    %shift_left3A_28 = arith.shli %xor3A_25, %shift_left3A_27 : i32
    %shift_right_logical3A_29 = arith.constant 26 : i32
    %shift_right_logical3A_30 = arith.shrui %xor3A_25, %shift_right_logical3A_29 : i32
    %or3A_31 = arith.ori %shift_left3A_28, %shift_right_logical3A_30 : i32
    %xor3A_32 = arith.xori %or3A_31, %add3A_26 : i32
    %add3A_33 = arith.addi %add3A_26, %get3A_2 : i32
    %add3A_34 = arith.addi %xor3A_32, %xor3A_4 : i32
    %add3A_35 = arith.constant 1 : i32
    %add3A_36 = arith.addi %add3A_34, %add3A_35 : i32
    %add3A_37 = arith.addi %add3A_33, %add3A_36 : i32
    %shift_left3A_38 = arith.constant 17 : i32
    %shift_left3A_39 = arith.shli %add3A_36, %shift_left3A_38 : i32
    %shift_right_logical3A_40 = arith.constant 15 : i32
    %shift_right_logical3A_41 = arith.shrui %add3A_36, %shift_right_logical3A_40 : i32
    %or3A_42 = arith.ori %shift_left3A_39, %shift_right_logical3A_41 : i32
    %xor3A_43 = arith.xori %or3A_42, %add3A_37 : i32
    %add3A_44 = arith.addi %add3A_37, %xor3A_43 : i32
    %shift_left3A_45 = arith.constant 29 : i32
    %shift_left3A_46 = arith.shli %xor3A_43, %shift_left3A_45 : i32
    %shift_right_logical3A_47 = arith.constant 3 : i32
    %shift_right_logical3A_48 = arith.shrui %xor3A_43, %shift_right_logical3A_47 : i32
    %or3A_49 = arith.ori %shift_left3A_46, %shift_right_logical3A_48 : i32
    %xor3A_50 = arith.xori %or3A_49, %add3A_44 : i32
    %add3A_51 = arith.addi %add3A_44, %xor3A_50 : i32
    %shift_left3A_52 = arith.constant 16 : i32
    %shift_left3A_53 = arith.shli %xor3A_50, %shift_left3A_52 : i32
    %shift_right_logical3A_54 = arith.constant 16 : i32
    %shift_right_logical3A_55 = arith.shrui %xor3A_50, %shift_right_logical3A_54 : i32
    %or3A_56 = arith.ori %shift_left3A_53, %shift_right_logical3A_55 : i32
    %xor3A_57 = arith.xori %or3A_56, %add3A_51 : i32
    %add3A_58 = arith.addi %add3A_51, %xor3A_57 : i32
    %shift_left3A_59 = arith.constant 24 : i32
    %shift_left3A_60 = arith.shli %xor3A_57, %shift_left3A_59 : i32
    %shift_right_logical3A_61 = arith.constant 8 : i32
    %shift_right_logical3A_62 = arith.shrui %xor3A_57, %shift_right_logical3A_61 : i32
    %or3A_63 = arith.ori %shift_left3A_60, %shift_right_logical3A_62 : i32
    %xor3A_64 = arith.xori %or3A_63, %add3A_58 : i32
    %add3A_65 = arith.addi %add3A_58, %xor3A_4 : i32
    %add3A_66 = arith.addi %xor3A_64, %get3A_0 : i32
    %add3A_67 = arith.constant 2 : i32
    %add3A_68 = arith.addi %add3A_66, %add3A_67 : i32
    %add3A_69 = arith.addi %add3A_65, %add3A_68 : i32
    %shift_left3A_70 = arith.constant 13 : i32
    %shift_left3A_71 = arith.shli %add3A_68, %shift_left3A_70 : i32
    %shift_right_logical3A_72 = arith.constant 19 : i32
    %shift_right_logical3A_73 = arith.shrui %add3A_68, %shift_right_logical3A_72 : i32
    %or3A_74 = arith.ori %shift_left3A_71, %shift_right_logical3A_73 : i32
    %xor3A_75 = arith.xori %or3A_74, %add3A_69 : i32
    %add3A_76 = arith.addi %add3A_69, %xor3A_75 : i32
    %shift_left3A_77 = arith.constant 15 : i32
    %shift_left3A_78 = arith.shli %xor3A_75, %shift_left3A_77 : i32
    %shift_right_logical3A_79 = arith.constant 17 : i32
    %shift_right_logical3A_80 = arith.shrui %xor3A_75, %shift_right_logical3A_79 : i32
    %or3A_81 = arith.ori %shift_left3A_78, %shift_right_logical3A_80 : i32
    %xor3A_82 = arith.xori %or3A_81, %add3A_76 : i32
    %add3A_83 = arith.addi %add3A_76, %xor3A_82 : i32
    %shift_left3A_84 = arith.constant 26 : i32
    %shift_left3A_85 = arith.shli %xor3A_82, %shift_left3A_84 : i32
    %shift_right_logical3A_86 = arith.constant 6 : i32
    %shift_right_logical3A_87 = arith.shrui %xor3A_82, %shift_right_logical3A_86 : i32
    %or3A_88 = arith.ori %shift_left3A_85, %shift_right_logical3A_87 : i32
    %xor3A_89 = arith.xori %or3A_88, %add3A_83 : i32
    %add3A_90 = arith.addi %add3A_83, %xor3A_89 : i32
    %shift_left3A_91 = arith.constant 6 : i32
    %shift_left3A_92 = arith.shli %xor3A_89, %shift_left3A_91 : i32
    %shift_right_logical3A_93 = arith.constant 26 : i32
    %shift_right_logical3A_94 = arith.shrui %xor3A_89, %shift_right_logical3A_93 : i32
    %or3A_95 = arith.ori %shift_left3A_92, %shift_right_logical3A_94 : i32
    %xor3A_96 = arith.xori %or3A_95, %add3A_90 : i32
    %add3A_97 = arith.addi %add3A_90, %get3A_0 : i32
    %add3A_98 = arith.addi %xor3A_96, %get3A_2 : i32
    %add3A_99 = arith.constant 3 : i32
    %add3A_100 = arith.addi %add3A_98, %add3A_99 : i32
    %add3A_101 = arith.addi %add3A_97, %add3A_100 : i32
    %shift_left3A_102 = arith.constant 17 : i32
    %shift_left3A_103 = arith.shli %add3A_100, %shift_left3A_102 : i32
    %shift_right_logical3A_104 = arith.constant 15 : i32
    %shift_right_logical3A_105 = arith.shrui %add3A_100, %shift_right_logical3A_104 : i32
    %or3A_106 = arith.ori %shift_left3A_103, %shift_right_logical3A_105 : i32
    %xor3A_107 = arith.xori %or3A_106, %add3A_101 : i32
    %add3A_108 = arith.addi %add3A_101, %xor3A_107 : i32
    %shift_left3A_109 = arith.constant 29 : i32
    %shift_left3A_110 = arith.shli %xor3A_107, %shift_left3A_109 : i32
    %shift_right_logical3A_111 = arith.constant 3 : i32
    %shift_right_logical3A_112 = arith.shrui %xor3A_107, %shift_right_logical3A_111 : i32
    %or3A_113 = arith.ori %shift_left3A_110, %shift_right_logical3A_112 : i32
    %xor3A_114 = arith.xori %or3A_113, %add3A_108 : i32
    %add3A_115 = arith.addi %add3A_108, %xor3A_114 : i32
    %shift_left3A_116 = arith.constant 16 : i32
    %shift_left3A_117 = arith.shli %xor3A_114, %shift_left3A_116 : i32
    %shift_right_logical3A_118 = arith.constant 16 : i32
    %shift_right_logical3A_119 = arith.shrui %xor3A_114, %shift_right_logical3A_118 : i32
    %or3A_120 = arith.ori %shift_left3A_117, %shift_right_logical3A_119 : i32
    %xor3A_121 = arith.xori %or3A_120, %add3A_115 : i32
    %add3A_122 = arith.addi %add3A_115, %xor3A_121 : i32
    %shift_left3A_123 = arith.constant 24 : i32
    %shift_left3A_124 = arith.shli %xor3A_121, %shift_left3A_123 : i32
    %shift_right_logical3A_125 = arith.constant 8 : i32
    %shift_right_logical3A_126 = arith.shrui %xor3A_121, %shift_right_logical3A_125 : i32
    %or3A_127 = arith.ori %shift_left3A_124, %shift_right_logical3A_126 : i32
    %xor3A_128 = arith.xori %or3A_127, %add3A_122 : i32
    %add3A_129 = arith.addi %add3A_122, %get3A_2 : i32
    %add3A_130 = arith.addi %xor3A_128, %xor3A_4 : i32
    %add3A_131 = arith.constant 4 : i32
    %add3A_132 = arith.addi %add3A_130, %add3A_131 : i32
    %add3A_133 = arith.addi %add3A_129, %add3A_132 : i32
    %shift_left3A_134 = arith.constant 13 : i32
    %shift_left3A_135 = arith.shli %add3A_132, %shift_left3A_134 : i32
    %shift_right_logical3A_136 = arith.constant 19 : i32
    %shift_right_logical3A_137 = arith.shrui %add3A_132, %shift_right_logical3A_136 : i32
    %or3A_138 = arith.ori %shift_left3A_135, %shift_right_logical3A_137 : i32
    %xor3A_139 = arith.xori %or3A_138, %add3A_133 : i32
    %add3A_140 = arith.addi %add3A_133, %xor3A_139 : i32
    %shift_left3A_141 = arith.constant 15 : i32
    %shift_left3A_142 = arith.shli %xor3A_139, %shift_left3A_141 : i32
    %shift_right_logical3A_143 = arith.constant 17 : i32
    %shift_right_logical3A_144 = arith.shrui %xor3A_139, %shift_right_logical3A_143 : i32
    %or3A_145 = arith.ori %shift_left3A_142, %shift_right_logical3A_144 : i32
    %xor3A_146 = arith.xori %or3A_145, %add3A_140 : i32
    %add3A_147 = arith.addi %add3A_140, %xor3A_146 : i32
    %shift_left3A_148 = arith.constant 26 : i32
    %shift_left3A_149 = arith.shli %xor3A_146, %shift_left3A_148 : i32
    %shift_right_logical3A_150 = arith.constant 6 : i32
    %shift_right_logical3A_151 = arith.shrui %xor3A_146, %shift_right_logical3A_150 : i32
    %or3A_152 = arith.ori %shift_left3A_149, %shift_right_logical3A_151 : i32
    %xor3A_153 = arith.xori %or3A_152, %add3A_147 : i32
    %add3A_154 = arith.addi %add3A_147, %xor3A_153 : i32
    %shift_left3A_155 = arith.constant 6 : i32
    %shift_left3A_156 = arith.shli %xor3A_153, %shift_left3A_155 : i32
    %shift_right_logical3A_157 = arith.constant 26 : i32
    %shift_right_logical3A_158 = arith.shrui %xor3A_153, %shift_right_logical3A_157 : i32
    %or3A_159 = arith.ori %shift_left3A_156, %shift_right_logical3A_158 : i32
    %xor3A_160 = arith.xori %or3A_159, %add3A_154 : i32
    %add3A_161 = arith.addi %add3A_154, %xor3A_4 : i32
    %add3A_162 = arith.addi %xor3A_160, %get3A_0 : i32
    %add3A_163 = arith.constant 5 : i32
    %add3A_164 = arith.addi %add3A_162, %add3A_163 : i32
    %iota3A = tpu.iota {dimensions = array<i32: 0>} : vector<128x512xi32>
    %mul3A = arith.constant 512 : i32
    %mul3A_165 = vector.broadcast %mul3A : i32 to vector<128x512xi32>
    %mul3A_166 = arith.muli %iota3A, %mul3A_165 : vector<128x512xi32>
    %iota3A_167 = tpu.iota {dimensions = array<i32: 1>} : vector<128x512xi32>
    %add3A_168 = arith.addi %mul3A_166, %iota3A_167 : vector<128x512xi32>
    %broadcast_in_dim3A = arith.constant 0 : i32
    %broadcast_in_dim3A_169 = vector.broadcast %broadcast_in_dim3A : i32 to vector<128x512xi32>
    %xor3A_170 = arith.xori %add3A_161, %add3A_164 : i32
    %xor3A_171 = arith.constant 466688986 : i32
    %xor3A_172 = arith.xori %xor3A_170, %xor3A_171 : i32
    %add3A_173 = vector.broadcast %add3A_161 : i32 to vector<128x512xi32>
    %add3A_174 = arith.addi %broadcast_in_dim3A_169, %add3A_173 : vector<128x512xi32>
    %add3A_175 = vector.broadcast %add3A_164 : i32 to vector<128x512xi32>
    %add3A_176 = arith.addi %add3A_168, %add3A_175 : vector<128x512xi32>
    %add3A_177 = arith.addi %add3A_174, %add3A_176 : vector<128x512xi32>
    %shift_left3A_178 = arith.constant 13 : i32
    %shift_left3A_179 = vector.broadcast %shift_left3A_178 : i32 to vector<128x512xi32>
    %shift_left3A_180 = arith.shli %add3A_176, %shift_left3A_179 : vector<128x512xi32>
    %shift_right_logical3A_181 = arith.constant 19 : i32
    %shift_right_logical3A_182 = vector.broadcast %shift_right_logical3A_181 : i32 to vector<128x512xi32>
    %shift_right_logical3A_183 = arith.shrui %add3A_176, %shift_right_logical3A_182 : vector<128x512xi32>
    %or3A_184 = arith.ori %shift_left3A_180, %shift_right_logical3A_183 : vector<128x512xi32>
    %xor3A_185 = arith.xori %or3A_184, %add3A_177 : vector<128x512xi32>
    %add3A_186 = arith.addi %add3A_177, %xor3A_185 : vector<128x512xi32>
    %shift_left3A_187 = arith.constant 15 : i32
    %shift_left3A_188 = vector.broadcast %shift_left3A_187 : i32 to vector<128x512xi32>
    %shift_left3A_189 = arith.shli %xor3A_185, %shift_left3A_188 : vector<128x512xi32>
    %shift_right_logical3A_190 = arith.constant 17 : i32
    %shift_right_logical3A_191 = vector.broadcast %shift_right_logical3A_190 : i32 to vector<128x512xi32>
    %shift_right_logical3A_192 = arith.shrui %xor3A_185, %shift_right_logical3A_191 : vector<128x512xi32>
    %or3A_193 = arith.ori %shift_left3A_189, %shift_right_logical3A_192 : vector<128x512xi32>
    %xor3A_194 = arith.xori %or3A_193, %add3A_186 : vector<128x512xi32>
    %add3A_195 = arith.addi %add3A_186, %xor3A_194 : vector<128x512xi32>
    %shift_left3A_196 = arith.constant 26 : i32
    %shift_left3A_197 = vector.broadcast %shift_left3A_196 : i32 to vector<128x512xi32>
    %shift_left3A_198 = arith.shli %xor3A_194, %shift_left3A_197 : vector<128x512xi32>
    %shift_right_logical3A_199 = arith.constant 6 : i32
    %shift_right_logical3A_200 = vector.broadcast %shift_right_logical3A_199 : i32 to vector<128x512xi32>
    %shift_right_logical3A_201 = arith.shrui %xor3A_194, %shift_right_logical3A_200 : vector<128x512xi32>
    %or3A_202 = arith.ori %shift_left3A_198, %shift_right_logical3A_201 : vector<128x512xi32>
    %xor3A_203 = arith.xori %or3A_202, %add3A_195 : vector<128x512xi32>
    %add3A_204 = arith.addi %add3A_195, %xor3A_203 : vector<128x512xi32>
    %shift_left3A_205 = arith.constant 6 : i32
    %shift_left3A_206 = vector.broadcast %shift_left3A_205 : i32 to vector<128x512xi32>
    %shift_left3A_207 = arith.shli %xor3A_203, %shift_left3A_206 : vector<128x512xi32>
    %shift_right_logical3A_208 = arith.constant 26 : i32
    %shift_right_logical3A_209 = vector.broadcast %shift_right_logical3A_208 : i32 to vector<128x512xi32>
    %shift_right_logical3A_210 = arith.shrui %xor3A_203, %shift_right_logical3A_209 : vector<128x512xi32>
    %or3A_211 = arith.ori %shift_left3A_207, %shift_right_logical3A_210 : vector<128x512xi32>
    %xor3A_212 = arith.xori %or3A_211, %add3A_204 : vector<128x512xi32>
    %add3A_213 = vector.broadcast %add3A_164 : i32 to vector<128x512xi32>
    %add3A_214 = arith.addi %add3A_204, %add3A_213 : vector<128x512xi32>
    %add3A_215 = vector.broadcast %xor3A_172 : i32 to vector<128x512xi32>
    %add3A_216 = arith.addi %xor3A_212, %add3A_215 : vector<128x512xi32>
    %add3A_217 = arith.constant 1 : i32
    %add3A_218 = vector.broadcast %add3A_217 : i32 to vector<128x512xi32>
    %add3A_219 = arith.addi %add3A_216, %add3A_218 : vector<128x512xi32>
    %add3A_220 = arith.addi %add3A_214, %add3A_219 : vector<128x512xi32>
    %shift_left3A_221 = arith.constant 17 : i32
    %shift_left3A_222 = vector.broadcast %shift_left3A_221 : i32 to vector<128x512xi32>
    %shift_left3A_223 = arith.shli %add3A_219, %shift_left3A_222 : vector<128x512xi32>
    %shift_right_logical3A_224 = arith.constant 15 : i32
    %shift_right_logical3A_225 = vector.broadcast %shift_right_logical3A_224 : i32 to vector<128x512xi32>
    %shift_right_logical3A_226 = arith.shrui %add3A_219, %shift_right_logical3A_225 : vector<128x512xi32>
    %or3A_227 = arith.ori %shift_left3A_223, %shift_right_logical3A_226 : vector<128x512xi32>
    %xor3A_228 = arith.xori %or3A_227, %add3A_220 : vector<128x512xi32>
    %add3A_229 = arith.addi %add3A_220, %xor3A_228 : vector<128x512xi32>
    %shift_left3A_230 = arith.constant 29 : i32
    %shift_left3A_231 = vector.broadcast %shift_left3A_230 : i32 to vector<128x512xi32>
    %shift_left3A_232 = arith.shli %xor3A_228, %shift_left3A_231 : vector<128x512xi32>
    %shift_right_logical3A_233 = arith.constant 3 : i32
    %shift_right_logical3A_234 = vector.broadcast %shift_right_logical3A_233 : i32 to vector<128x512xi32>
    %shift_right_logical3A_235 = arith.shrui %xor3A_228, %shift_right_logical3A_234 : vector<128x512xi32>
    %or3A_236 = arith.ori %shift_left3A_232, %shift_right_logical3A_235 : vector<128x512xi32>
    %xor3A_237 = arith.xori %or3A_236, %add3A_229 : vector<128x512xi32>
    %add3A_238 = arith.addi %add3A_229, %xor3A_237 : vector<128x512xi32>
    %shift_left3A_239 = arith.constant 16 : i32
    %shift_left3A_240 = vector.broadcast %shift_left3A_239 : i32 to vector<128x512xi32>
    %shift_left3A_241 = arith.shli %xor3A_237, %shift_left3A_240 : vector<128x512xi32>
    %shift_right_logical3A_242 = arith.constant 16 : i32
    %shift_right_logical3A_243 = vector.broadcast %shift_right_logical3A_242 : i32 to vector<128x512xi32>
    %shift_right_logical3A_244 = arith.shrui %xor3A_237, %shift_right_logical3A_243 : vector<128x512xi32>
    %or3A_245 = arith.ori %shift_left3A_241, %shift_right_logical3A_244 : vector<128x512xi32>
    %xor3A_246 = arith.xori %or3A_245, %add3A_238 : vector<128x512xi32>
    %add3A_247 = arith.addi %add3A_238, %xor3A_246 : vector<128x512xi32>
    %shift_left3A_248 = arith.constant 24 : i32
    %shift_left3A_249 = vector.broadcast %shift_left3A_248 : i32 to vector<128x512xi32>
    %shift_left3A_250 = arith.shli %xor3A_246, %shift_left3A_249 : vector<128x512xi32>
    %shift_right_logical3A_251 = arith.constant 8 : i32
    %shift_right_logical3A_252 = vector.broadcast %shift_right_logical3A_251 : i32 to vector<128x512xi32>
    %shift_right_logical3A_253 = arith.shrui %xor3A_246, %shift_right_logical3A_252 : vector<128x512xi32>
    %or3A_254 = arith.ori %shift_left3A_250, %shift_right_logical3A_253 : vector<128x512xi32>
    %xor3A_255 = arith.xori %or3A_254, %add3A_247 : vector<128x512xi32>
    %add3A_256 = vector.broadcast %xor3A_172 : i32 to vector<128x512xi32>
    %add3A_257 = arith.addi %add3A_247, %add3A_256 : vector<128x512xi32>
    %add3A_258 = vector.broadcast %add3A_161 : i32 to vector<128x512xi32>
    %add3A_259 = arith.addi %xor3A_255, %add3A_258 : vector<128x512xi32>
    %add3A_260 = arith.constant 2 : i32
    %add3A_261 = vector.broadcast %add3A_260 : i32 to vector<128x512xi32>
    %add3A_262 = arith.addi %add3A_259, %add3A_261 : vector<128x512xi32>
    %add3A_263 = arith.addi %add3A_257, %add3A_262 : vector<128x512xi32>
    %shift_left3A_264 = arith.constant 13 : i32
    %shift_left3A_265 = vector.broadcast %shift_left3A_264 : i32 to vector<128x512xi32>
    %shift_left3A_266 = arith.shli %add3A_262, %shift_left3A_265 : vector<128x512xi32>
    %shift_right_logical3A_267 = arith.constant 19 : i32
    %shift_right_logical3A_268 = vector.broadcast %shift_right_logical3A_267 : i32 to vector<128x512xi32>
    %shift_right_logical3A_269 = arith.shrui %add3A_262, %shift_right_logical3A_268 : vector<128x512xi32>
    %or3A_270 = arith.ori %shift_left3A_266, %shift_right_logical3A_269 : vector<128x512xi32>
    %xor3A_271 = arith.xori %or3A_270, %add3A_263 : vector<128x512xi32>
    %add3A_272 = arith.addi %add3A_263, %xor3A_271 : vector<128x512xi32>
    %shift_left3A_273 = arith.constant 15 : i32
    %shift_left3A_274 = vector.broadcast %shift_left3A_273 : i32 to vector<128x512xi32>
    %shift_left3A_275 = arith.shli %xor3A_271, %shift_left3A_274 : vector<128x512xi32>
    %shift_right_logical3A_276 = arith.constant 17 : i32
    %shift_right_logical3A_277 = vector.broadcast %shift_right_logical3A_276 : i32 to vector<128x512xi32>
    %shift_right_logical3A_278 = arith.shrui %xor3A_271, %shift_right_logical3A_277 : vector<128x512xi32>
    %or3A_279 = arith.ori %shift_left3A_275, %shift_right_logical3A_278 : vector<128x512xi32>
    %xor3A_280 = arith.xori %or3A_279, %add3A_272 : vector<128x512xi32>
    %add3A_281 = arith.addi %add3A_272, %xor3A_280 : vector<128x512xi32>
    %shift_left3A_282 = arith.constant 26 : i32
    %shift_left3A_283 = vector.broadcast %shift_left3A_282 : i32 to vector<128x512xi32>
    %shift_left3A_284 = arith.shli %xor3A_280, %shift_left3A_283 : vector<128x512xi32>
    %shift_right_logical3A_285 = arith.constant 6 : i32
    %shift_right_logical3A_286 = vector.broadcast %shift_right_logical3A_285 : i32 to vector<128x512xi32>
    %shift_right_logical3A_287 = arith.shrui %xor3A_280, %shift_right_logical3A_286 : vector<128x512xi32>
    %or3A_288 = arith.ori %shift_left3A_284, %shift_right_logical3A_287 : vector<128x512xi32>
    %xor3A_289 = arith.xori %or3A_288, %add3A_281 : vector<128x512xi32>
    %add3A_290 = arith.addi %add3A_281, %xor3A_289 : vector<128x512xi32>
    %shift_left3A_291 = arith.constant 6 : i32
    %shift_left3A_292 = vector.broadcast %shift_left3A_291 : i32 to vector<128x512xi32>
    %shift_left3A_293 = arith.shli %xor3A_289, %shift_left3A_292 : vector<128x512xi32>
    %shift_right_logical3A_294 = arith.constant 26 : i32
    %shift_right_logical3A_295 = vector.broadcast %shift_right_logical3A_294 : i32 to vector<128x512xi32>
    %shift_right_logical3A_296 = arith.shrui %xor3A_289, %shift_right_logical3A_295 : vector<128x512xi32>
    %or3A_297 = arith.ori %shift_left3A_293, %shift_right_logical3A_296 : vector<128x512xi32>
    %xor3A_298 = arith.xori %or3A_297, %add3A_290 : vector<128x512xi32>
    %add3A_299 = vector.broadcast %add3A_161 : i32 to vector<128x512xi32>
    %add3A_300 = arith.addi %add3A_290, %add3A_299 : vector<128x512xi32>
    %add3A_301 = vector.broadcast %add3A_164 : i32 to vector<128x512xi32>
    %add3A_302 = arith.addi %xor3A_298, %add3A_301 : vector<128x512xi32>
    %add3A_303 = arith.constant 3 : i32
    %add3A_304 = vector.broadcast %add3A_303 : i32 to vector<128x512xi32>
    %add3A_305 = arith.addi %add3A_302, %add3A_304 : vector<128x512xi32>
    %add3A_306 = arith.addi %add3A_300, %add3A_305 : vector<128x512xi32>
    %shift_left3A_307 = arith.constant 17 : i32
    %shift_left3A_308 = vector.broadcast %shift_left3A_307 : i32 to vector<128x512xi32>
    %shift_left3A_309 = arith.shli %add3A_305, %shift_left3A_308 : vector<128x512xi32>
    %shift_right_logical3A_310 = arith.constant 15 : i32
    %shift_right_logical3A_311 = vector.broadcast %shift_right_logical3A_310 : i32 to vector<128x512xi32>
    %shift_right_logical3A_312 = arith.shrui %add3A_305, %shift_right_logical3A_311 : vector<128x512xi32>
    %or3A_313 = arith.ori %shift_left3A_309, %shift_right_logical3A_312 : vector<128x512xi32>
    %xor3A_314 = arith.xori %or3A_313, %add3A_306 : vector<128x512xi32>
    %add3A_315 = arith.addi %add3A_306, %xor3A_314 : vector<128x512xi32>
    %shift_left3A_316 = arith.constant 29 : i32
    %shift_left3A_317 = vector.broadcast %shift_left3A_316 : i32 to vector<128x512xi32>
    %shift_left3A_318 = arith.shli %xor3A_314, %shift_left3A_317 : vector<128x512xi32>
    %shift_right_logical3A_319 = arith.constant 3 : i32
    %shift_right_logical3A_320 = vector.broadcast %shift_right_logical3A_319 : i32 to vector<128x512xi32>
    %shift_right_logical3A_321 = arith.shrui %xor3A_314, %shift_right_logical3A_320 : vector<128x512xi32>
    %or3A_322 = arith.ori %shift_left3A_318, %shift_right_logical3A_321 : vector<128x512xi32>
    %xor3A_323 = arith.xori %or3A_322, %add3A_315 : vector<128x512xi32>
    %add3A_324 = arith.addi %add3A_315, %xor3A_323 : vector<128x512xi32>
    %shift_left3A_325 = arith.constant 16 : i32
    %shift_left3A_326 = vector.broadcast %shift_left3A_325 : i32 to vector<128x512xi32>
    %shift_left3A_327 = arith.shli %xor3A_323, %shift_left3A_326 : vector<128x512xi32>
    %shift_right_logical3A_328 = arith.constant 16 : i32
    %shift_right_logical3A_329 = vector.broadcast %shift_right_logical3A_328 : i32 to vector<128x512xi32>
    %shift_right_logical3A_330 = arith.shrui %xor3A_323, %shift_right_logical3A_329 : vector<128x512xi32>
    %or3A_331 = arith.ori %shift_left3A_327, %shift_right_logical3A_330 : vector<128x512xi32>
    %xor3A_332 = arith.xori %or3A_331, %add3A_324 : vector<128x512xi32>
    %add3A_333 = arith.addi %add3A_324, %xor3A_332 : vector<128x512xi32>
    %shift_left3A_334 = arith.constant 24 : i32
    %shift_left3A_335 = vector.broadcast %shift_left3A_334 : i32 to vector<128x512xi32>
    %shift_left3A_336 = arith.shli %xor3A_332, %shift_left3A_335 : vector<128x512xi32>
    %shift_right_logical3A_337 = arith.constant 8 : i32
    %shift_right_logical3A_338 = vector.broadcast %shift_right_logical3A_337 : i32 to vector<128x512xi32>
    %shift_right_logical3A_339 = arith.shrui %xor3A_332, %shift_right_logical3A_338 : vector<128x512xi32>
    %or3A_340 = arith.ori %shift_left3A_336, %shift_right_logical3A_339 : vector<128x512xi32>
    %xor3A_341 = arith.xori %or3A_340, %add3A_333 : vector<128x512xi32>
    %add3A_342 = vector.broadcast %add3A_164 : i32 to vector<128x512xi32>
    %add3A_343 = arith.addi %add3A_333, %add3A_342 : vector<128x512xi32>
    %add3A_344 = vector.broadcast %xor3A_172 : i32 to vector<128x512xi32>
    %add3A_345 = arith.addi %xor3A_341, %add3A_344 : vector<128x512xi32>
    %add3A_346 = arith.constant 4 : i32
    %add3A_347 = vector.broadcast %add3A_346 : i32 to vector<128x512xi32>
    %add3A_348 = arith.addi %add3A_345, %add3A_347 : vector<128x512xi32>
    %add3A_349 = arith.addi %add3A_343, %add3A_348 : vector<128x512xi32>
    %shift_left3A_350 = arith.constant 13 : i32
    %shift_left3A_351 = vector.broadcast %shift_left3A_350 : i32 to vector<128x512xi32>
    %shift_left3A_352 = arith.shli %add3A_348, %shift_left3A_351 : vector<128x512xi32>
    %shift_right_logical3A_353 = arith.constant 19 : i32
    %shift_right_logical3A_354 = vector.broadcast %shift_right_logical3A_353 : i32 to vector<128x512xi32>
    %shift_right_logical3A_355 = arith.shrui %add3A_348, %shift_right_logical3A_354 : vector<128x512xi32>
    %or3A_356 = arith.ori %shift_left3A_352, %shift_right_logical3A_355 : vector<128x512xi32>
    %xor3A_357 = arith.xori %or3A_356, %add3A_349 : vector<128x512xi32>
    %add3A_358 = arith.addi %add3A_349, %xor3A_357 : vector<128x512xi32>
    %shift_left3A_359 = arith.constant 15 : i32
    %shift_left3A_360 = vector.broadcast %shift_left3A_359 : i32 to vector<128x512xi32>
    %shift_left3A_361 = arith.shli %xor3A_357, %shift_left3A_360 : vector<128x512xi32>
    %shift_right_logical3A_362 = arith.constant 17 : i32
    %shift_right_logical3A_363 = vector.broadcast %shift_right_logical3A_362 : i32 to vector<128x512xi32>
    %shift_right_logical3A_364 = arith.shrui %xor3A_357, %shift_right_logical3A_363 : vector<128x512xi32>
    %or3A_365 = arith.ori %shift_left3A_361, %shift_right_logical3A_364 : vector<128x512xi32>
    %xor3A_366 = arith.xori %or3A_365, %add3A_358 : vector<128x512xi32>
    %add3A_367 = arith.addi %add3A_358, %xor3A_366 : vector<128x512xi32>
    %shift_left3A_368 = arith.constant 26 : i32
    %shift_left3A_369 = vector.broadcast %shift_left3A_368 : i32 to vector<128x512xi32>
    %shift_left3A_370 = arith.shli %xor3A_366, %shift_left3A_369 : vector<128x512xi32>
    %shift_right_logical3A_371 = arith.constant 6 : i32
    %shift_right_logical3A_372 = vector.broadcast %shift_right_logical3A_371 : i32 to vector<128x512xi32>
    %shift_right_logical3A_373 = arith.shrui %xor3A_366, %shift_right_logical3A_372 : vector<128x512xi32>
    %or3A_374 = arith.ori %shift_left3A_370, %shift_right_logical3A_373 : vector<128x512xi32>
    %xor3A_375 = arith.xori %or3A_374, %add3A_367 : vector<128x512xi32>
    %add3A_376 = arith.addi %add3A_367, %xor3A_375 : vector<128x512xi32>
    %shift_left3A_377 = arith.constant 6 : i32
    %shift_left3A_378 = vector.broadcast %shift_left3A_377 : i32 to vector<128x512xi32>
    %shift_left3A_379 = arith.shli %xor3A_375, %shift_left3A_378 : vector<128x512xi32>
    %shift_right_logical3A_380 = arith.constant 26 : i32
    %shift_right_logical3A_381 = vector.broadcast %shift_right_logical3A_380 : i32 to vector<128x512xi32>
    %shift_right_logical3A_382 = arith.shrui %xor3A_375, %shift_right_logical3A_381 : vector<128x512xi32>
    %or3A_383 = arith.ori %shift_left3A_379, %shift_right_logical3A_382 : vector<128x512xi32>
    %xor3A_384 = arith.xori %or3A_383, %add3A_376 : vector<128x512xi32>
    %add3A_385 = vector.broadcast %xor3A_172 : i32 to vector<128x512xi32>
    %add3A_386 = arith.addi %add3A_376, %add3A_385 : vector<128x512xi32>
    %add3A_387 = vector.broadcast %add3A_161 : i32 to vector<128x512xi32>
    %add3A_388 = arith.addi %xor3A_384, %add3A_387 : vector<128x512xi32>
    %add3A_389 = arith.constant 5 : i32
    %add3A_390 = vector.broadcast %add3A_389 : i32 to vector<128x512xi32>
    %add3A_391 = arith.addi %add3A_388, %add3A_390 : vector<128x512xi32>
    %xor3A_392 = arith.xori %add3A_386, %add3A_391 : vector<128x512xi32>
    %shift_right_logical3A_393 = arith.constant 9 : i32
    %shift_right_logical3A_394 = vector.broadcast %shift_right_logical3A_393 : i32 to vector<128x512xi32>
    %shift_right_logical3A_395 = arith.shrui %xor3A_392, %shift_right_logical3A_394 : vector<128x512xi32>
    %or3A_396 = arith.constant 1065353216 : i32
    %or3A_397 = vector.broadcast %or3A_396 : i32 to vector<128x512xi32>
    %or3A_398 = arith.ori %shift_right_logical3A_395, %or3A_397 : vector<128x512xi32>
    %bitcast_convert_type3A = tpu.bitcast %or3A_398 : vector<128x512xi32> -> vector<128x512xf32>
    %sub3A = arith.constant 1.000000e+00 : f32
    %sub3A_399 = vector.broadcast %sub3A : f32 to vector<128x512xf32>
    %sub3A_400 = arith.subf %bitcast_convert_type3A, %sub3A_399 : vector<128x512xf32>
    %sub3A_401 = arith.constant 1.000000e+00 : f32
    %sub3A_402 = arith.constant 1.17549435E-38 : f32
    %sub3A_403 = arith.subf %sub3A_401, %sub3A_402 : f32
    %mul3A_404 = vector.broadcast %sub3A_403 : f32 to vector<128x512xf32>
    %mul3A_405 = arith.mulf %sub3A_400, %mul3A_404 : vector<128x512xf32>
    %add3A_406 = arith.constant 1.17549435E-38 : f32
    %add3A_407 = vector.broadcast %add3A_406 : f32 to vector<128x512xf32>
    %add3A_408 = arith.addf %mul3A_405, %add3A_407 : vector<128x512xf32>
    %max3A = arith.constant 1.17549435E-38 : f32
    %max3A_409 = vector.broadcast %max3A : f32 to vector<128x512xf32>
    %max3A_410 = arith.maximumf %max3A_409, %add3A_408 : vector<128x512xf32>
    %log3A = math.log %max3A_410 : vector<128x512xf32>
    %neg3A = arith.constant 0.000000e+00 : f32
    %neg3A_411 = vector.broadcast %neg3A : f32 to vector<128x512xf32>
    %neg3A_412 = arith.subf %neg3A_411, %log3A : vector<128x512xf32>
    %log3A_413 = math.log %neg3A_412 : vector<128x512xf32>
    %neg3A_414 = arith.constant 0.000000e+00 : f32
    %neg3A_415 = vector.broadcast %neg3A_414 : f32 to vector<128x512xf32>
    %neg3A_416 = arith.subf %neg3A_415, %log3A_413 : vector<128x512xf32>
    %swap3A = arith.constant 0 : index
    %swap3A_417 = arith.constant 0 : index
    %swap3A_418 = vector.load %arg10[%swap3A, %swap3A_417] : memref<128x512xf32, #tpu.memory_space<vmem>>, vector<128x512xf32>
    tpu.vector_store %arg10[%swap3A, %swap3A_417], %neg3A_416 {strides = array<i32>} : memref<128x512xf32, #tpu.memory_space<vmem>>, vector<128x512xf32>,
    %get3A_419 = arith.constant 0 : index
    %get3A_420 = arith.constant 0 : index
    %get3A_421 = vector.load %arg1[%get3A_419, %get3A_420] : memref<128x64xf32, #tpu.memory_space<vmem>>, vector<128x64xf32>
    %get3A_422 = arith.constant 0 : index
    %get3A_423 = arith.constant 0 : index
    %get3A_424 = vector.load %arg2[%get3A_422, %get3A_423] : memref<128x128xf32, #tpu.memory_space<vmem>>, vector<128x128xf32>
    %concatenate3A = tpu.concatenate %get3A_421, %get3A_424 in 1 : vector<128x64xf32>, vector<128x128xf32> -> vector<128x192xf32>
    %convert_element_type3A = arith.truncf %concatenate3A : vector<128x192xf32> to vector<128x192xbf16>
    %get3A_425 = arith.constant 0 : index
    %get3A_426 = arith.constant 0 : index
    %get3A_427 = vector.load %arg3[%get3A_425, %get3A_426] : memref<192x256xf32, #tpu.memory_space<vmem>>, vector<192x256xf32>
    %convert_element_type3A_428 = arith.truncf %get3A_427 : vector<192x256xf32> to vector<192x256xbf16>
    %dot_general3A = arith.constant dense<0.000000e+00> : vector<128x256xf32>
    %dot_general3A_429 = tpu.matmul %convert_element_type3A, %convert_element_type3A_428, %dot_general3A {dimension_numbers = #tpu.dot_dimension_numbers<[1], [0], [0], [1], [0, 0, 1, 1], [], []>, transpose_lhs_hint = false} : vector<128x192xbf16>, vector<192x256xbf16>, vector<128x256xf32> -> vector<128x256xf32>
    %get3A_430 = arith.constant 0 : index
    %get3A_431 = arith.constant 0 : index
    %get3A_432 = vector.load %arg4[%get3A_430, %get3A_431] : memref<1x256xf32, #tpu.memory_space<vmem>>, vector<1x256xf32>
    %add3A_433 = vector.broadcast %get3A_432 : vector<1x256xf32> to vector<128x256xf32>
    %add3A_434 = arith.addf %dot_general3A_429, %add3A_433 : vector<128x256xf32>
    %tanh3A = math.tanh %add3A_434 : vector<128x256xf32>
    %convert_element_type3A_435 = arith.truncf %tanh3A : vector<128x256xf32> to vector<128x256xbf16>
    %get3A_436 = arith.constant 0 : index
    %get3A_437 = arith.constant 0 : index
    %get3A_438 = vector.load %arg5[%get3A_436, %get3A_437] : memref<256x256xf32, #tpu.memory_space<vmem>>, vector<256x256xf32>
    %convert_element_type3A_439 = arith.truncf %get3A_438 : vector<256x256xf32> to vector<256x256xbf16>
    %dot_general3A_440 = arith.constant dense<0.000000e+00> : vector<128x256xf32>
    %dot_general3A_441 = tpu.matmul %convert_element_type3A_435, %convert_element_type3A_439, %dot_general3A_440 {dimension_numbers = #tpu.dot_dimension_numbers<[1], [0], [0], [1], [0, 0, 1, 1], [], []>, transpose_lhs_hint = false} : vector<128x256xbf16>, vector<256x256xbf16>, vector<128x256xf32> -> vector<128x256xf32>
    %get3A_442 = arith.constant 0 : index
    %get3A_443 = arith.constant 0 : index
    %get3A_444 = vector.load %arg6[%get3A_442, %get3A_443] : memref<1x256xf32, #tpu.memory_space<vmem>>, vector<1x256xf32>
    %add3A_445 = vector.broadcast %get3A_444 : vector<1x256xf32> to vector<128x256xf32>
    %add3A_446 = arith.addf %dot_general3A_441, %add3A_445 : vector<128x256xf32>
    %tanh3A_447 = math.tanh %add3A_446 : vector<128x256xf32>
    %convert_element_type3A_448 = arith.truncf %tanh3A_447 : vector<128x256xf32> to vector<128x256xbf16>
    %get3A_449 = arith.constant 0 : index
    %get3A_450 = arith.constant 0 : index
    %get3A_451 = vector.load %arg7[%get3A_449, %get3A_450] : memref<256x64xf32, #tpu.memory_space<vmem>>, vector<256x64xf32>
    %convert_element_type3A_452 = arith.truncf %get3A_451 : vector<256x64xf32> to vector<256x64xbf16>
    %dot_general3A_453 = arith.constant dense<0.000000e+00> : vector<128x64xf32>
    %dot_general3A_454 = tpu.matmul %convert_element_type3A_448, %convert_element_type3A_452, %dot_general3A_453 {dimension_numbers = #tpu.dot_dimension_numbers<[1], [0], [0], [1], [0, 0, 1, 1], [], []>, transpose_lhs_hint = false} : vector<128x256xbf16>, vector<256x64xbf16>, vector<128x64xf32> -> vector<128x64xf32>
    %get3A_455 = arith.constant 0 : index
    %get3A_456 = arith.constant 0 : index
    %get3A_457 = vector.load %arg8[%get3A_455, %get3A_456] : memref<1x64xf32, #tpu.memory_space<vmem>>, vector<1x64xf32>
    %add3A_458 = vector.broadcast %get3A_457 : vector<1x64xf32> to vector<128x64xf32>
    %add3A_459 = arith.addf %dot_general3A_454, %add3A_458 : vector<128x64xf32>
    %swap3A_460 = arith.constant 0 : index
    %swap3A_461 = arith.constant 0 : index
    %swap3A_462 = vector.load %arg11[%swap3A_460, %swap3A_461] : memref<128x64xf32, #tpu.memory_space<vmem>>, vector<128x64xf32>
    tpu.vector_store %arg11[%swap3A_460, %swap3A_461], %add3A_459 {strides = array<i32>} : memref<128x64xf32, #tpu.memory_space<vmem>>, vector<128x64xf32>,
    %broadcast_in_dim3A_463 = arith.constant 0.000000e+00 : f32
    %broadcast_in_dim3A_464 = vector.broadcast %broadcast_in_dim3A_463 : f32 to vector<128x512xf32>
    %slice3A = vector.extract_strided_slice %add3A_459 {offsets = [0, 0], sizes = [128, 1], strides = [1, 1]} : vector<128x64xf32> to vector<128x1xf32>
    %get3A_465 = arith.constant 0 : index
    %get3A_466 = arith.constant 0 : index
    %get3A_467 = vector.load %arg9[%get3A_465, %get3A_466] : memref<64x512xf32, #tpu.memory_space<vmem>>, vector<1x512xf32>
    %sub3A_468 = vector.broadcast %slice3A : vector<128x1xf32> to vector<128x512xf32>
    %sub3A_469 = vector.broadcast %get3A_467 : vector<1x512xf32> to vector<128x512xf32>
    %sub3A_470 = arith.subf %sub3A_468, %sub3A_469 : vector<128x512xf32>
    %integer_pow3A = arith.mulf %sub3A_470, %sub3A_470 : vector<128x512xf32>
    %add3A_471 = arith.addf %broadcast_in_dim3A_464, %integer_pow3A : vector<128x512xf32>
    %slice3A_472 = vector.extract_strided_slice %add3A_459 {offsets = [0, 1], sizes = [128, 1], strides = [1, 1]} : vector<128x64xf32> to vector<128x1xf32>
    %get3A_473 = arith.constant 1 : index
    %get3A_474 = arith.constant 0 : index
    %get3A_475 = vector.load %arg9[%get3A_473, %get3A_474] : memref<64x512xf32, #tpu.memory_space<vmem>>, vector<1x512xf32>
    %sub3A_476 = vector.broadcast %slice3A_472 : vector<128x1xf32> to vector<128x512xf32>
    %sub3A_477 = vector.broadcast %get3A_475 : vector<1x512xf32> to vector<128x512xf32>
    %sub3A_478 = arith.subf %sub3A_476, %sub3A_477 : vector<128x512xf32>
    %integer_pow3A_479 = arith.mulf %sub3A_478, %sub3A_478 : vector<128x512xf32>
    %add3A_480 = arith.addf %add3A_471, %integer_pow3A_479 : vector<128x512xf32>
    %slice3A_481 = vector.extract_strided_slice %add3A_459 {offsets = [0, 2], sizes = [128, 1], strides = [1, 1]} : vector<128x64xf32> to vector<128x1xf32>
    %get3A_482 = arith.constant 2 : index
    %get3A_483 = arith.constant 0 : index
    %get3A_484 = vector.load %arg9[%get3A_482, %get3A_483] : memref<64x512xf32, #tpu.memory_space<vmem>>, vector<1x512xf32>
    %sub3A_485 = vector.broadcast %slice3A_481 : vector<128x1xf32> to vector<128x512xf32>
    %sub3A_486 = vector.broadcast %get3A_484 : vector<1x512xf32> to vector<128x512xf32>
    %sub3A_487 = arith.subf %sub3A_485, %sub3A_486 : vector<128x512xf32>
    %integer_pow3A_488 = arith.mulf %sub3A_487, %sub3A_487 : vector<128x512xf32>
    %add3A_489 = arith.addf %add3A_480, %integer_pow3A_488 : vector<128x512xf32>
    %slice3A_490 = vector.extract_strided_slice %add3A_459 {offsets = [0, 3], sizes = [128, 1], strides = [1, 1]} : vector<128x64xf32> to vector<128x1xf32>
    %get3A_491 = arith.constant 3 : index
    %get3A_492 = arith.constant 0 : index
    %get3A_493 = vector.load %arg9[%get3A_491, %get3A_492] : memref<64x512xf32, #tpu.memory_space<vmem>>, vector<1x512xf32>
    %sub3A_494 = vector.broadcast %slice3A_490 : vector<128x1xf32> to vector<128x512xf32>
    %sub3A_495 = vector.broadcast %get3A_493 : vector<1x512xf32> to vector<128x512xf32>
    %sub3A_496 = arith.subf %sub3A_494, %sub3A_495 : vector<128x512xf32>
    %integer_pow3A_497 = arith.mulf %sub3A_496, %sub3A_496 : vector<128x512xf32>
    %add3A_498 = arith.addf %add3A_489, %integer_pow3A_497 : vector<128x512xf32>
    %slice3A_499 = vector.extract_strided_slice %add3A_459 {offsets = [0, 4], sizes = [128, 1], strides = [1, 1]} : vector<128x64xf32> to vector<128x1xf32>
    %get3A_500 = arith.constant 4 : index
    %get3A_501 = arith.constant 0 : index
    %get3A_502 = vector.load %arg9[%get3A_500, %get3A_501] : memref<64x512xf32, #tpu.memory_space<vmem>>, vector<1x512xf32>
    %sub3A_503 = vector.broadcast %slice3A_499 : vector<128x1xf32> to vector<128x512xf32>
    %sub3A_504 = vector.broadcast %get3A_502 : vector<1x512xf32> to vector<128x512xf32>
    %sub3A_505 = arith.subf %sub3A_503, %sub3A_504 : vector<128x512xf32>
    %integer_pow3A_506 = arith.mulf %sub3A_505, %sub3A_505 : vector<128x512xf32>
    %add3A_507 = arith.addf %add3A_498, %integer_pow3A_506 : vector<128x512xf32>
    %slice3A_508 = vector.extract_strided_slice %add3A_459 {offsets = [0, 5], sizes = [128, 1], strides = [1, 1]} : vector<128x64xf32> to vector<128x1xf32>
    %get3A_509 = arith.constant 5 : index
    %get3A_510 = arith.constant 0 : index
    %get3A_511 = vector.load %arg9[%get3A_509, %get3A_510] : memref<64x512xf32, #tpu.memory_space<vmem>>, vector<1x512xf32>
    %sub3A_512 = vector.broadcast %slice3A_508 : vector<128x1xf32> to vector<128x512xf32>
    %sub3A_513 = vector.broadcast %get3A_511 : vector<1x512xf32> to vector<128x512xf32>
    %sub3A_514 = arith.subf %sub3A_512, %sub3A_513 : vector<128x512xf32>
    %integer_pow3A_515 = arith.mulf %sub3A_514, %sub3A_514 : vector<128x512xf32>
    %add3A_516 = arith.addf %add3A_507, %integer_pow3A_515 : vector<128x512xf32>
    %slice3A_517 = vector.extract_strided_slice %add3A_459 {offsets = [0, 6], sizes = [128, 1], strides = [1, 1]} : vector<128x64xf32> to vector<128x1xf32>
    %get3A_518 = arith.constant 6 : index
    %get3A_519 = arith.constant 0 : index
    %get3A_520 = vector.load %arg9[%get3A_518, %get3A_519] : memref<64x512xf32, #tpu.memory_space<vmem>>, vector<1x512xf32>
    %sub3A_521 = vector.broadcast %slice3A_517 : vector<128x1xf32> to vector<128x512xf32>
    %sub3A_522 = vector.broadcast %get3A_520 : vector<1x512xf32> to vector<128x512xf32>
    %sub3A_523 = arith.subf %sub3A_521, %sub3A_522 : vector<128x512xf32>
    %integer_pow3A_524 = arith.mulf %sub3A_523, %sub3A_523 : vector<128x512xf32>
    %add3A_525 = arith.addf %add3A_516, %integer_pow3A_524 : vector<128x512xf32>
    %slice3A_526 = vector.extract_strided_slice %add3A_459 {offsets = [0, 7], sizes = [128, 1], strides = [1, 1]} : vector<128x64xf32> to vector<128x1xf32>
    %get3A_527 = arith.constant 7 : index
    %get3A_528 = arith.constant 0 : index
    %get3A_529 = vector.load %arg9[%get3A_527, %get3A_528] : memref<64x512xf32, #tpu.memory_space<vmem>>, vector<1x512xf32>
    %sub3A_530 = vector.broadcast %slice3A_526 : vector<128x1xf32> to vector<128x512xf32>
    %sub3A_531 = vector.broadcast %get3A_529 : vector<1x512xf32> to vector<128x512xf32>
    %sub3A_532 = arith.subf %sub3A_530, %sub3A_531 : vector<128x512xf32>
    %integer_pow3A_533 = arith.mulf %sub3A_532, %sub3A_532 : vector<128x512xf32>
    %add3A_534 = arith.addf %add3A_525, %integer_pow3A_533 : vector<128x512xf32>
    %slice3A_535 = vector.extract_strided_slice %add3A_459 {offsets = [0, 8], sizes = [128, 1], strides = [1, 1]} : vector<128x64xf32> to vector<128x1xf32>
    %get3A_536 = arith.constant 8 : index
    %get3A_537 = arith.constant 0 : index
    %get3A_538 = vector.load %arg9[%get3A_536, %get3A_537] : memref<64x512xf32, #tpu.memory_space<vmem>>, vector<1x512xf32>
    %sub3A_539 = vector.broadcast %slice3A_535 : vector<128x1xf32> to vector<128x512xf32>
    %sub3A_540 = vector.broadcast %get3A_538 : vector<1x512xf32> to vector<128x512xf32>
    %sub3A_541 = arith.subf %sub3A_539, %sub3A_540 : vector<128x512xf32>
    %integer_pow3A_542 = arith.mulf %sub3A_541, %sub3A_541 : vector<128x512xf32>
    %add3A_543 = arith.addf %add3A_534, %integer_pow3A_542 : vector<128x512xf32>
    %slice3A_544 = vector.extract_strided_slice %add3A_459 {offsets = [0, 9], sizes = [128, 1], strides = [1, 1]} : vector<128x64xf32> to vector<128x1xf32>
    %get3A_545 = arith.constant 9 : index
    %get3A_546 = arith.constant 0 : index
    %get3A_547 = vector.load %arg9[%get3A_545, %get3A_546] : memref<64x512xf32, #tpu.memory_space<vmem>>, vector<1x512xf32>
    %sub3A_548 = vector.broadcast %slice3A_544 : vector<128x1xf32> to vector<128x512xf32>
    %sub3A_549 = vector.broadcast %get3A_547 : vector<1x512xf32> to vector<128x512xf32>
    %sub3A_550 = arith.subf %sub3A_548, %sub3A_549 : vector<128x512xf32>
    %integer_pow3A_551 = arith.mulf %sub3A_550, %sub3A_550 : vector<128x512xf32>
    %add3A_552 = arith.addf %add3A_543, %integer_pow3A_551 : vector<128x512xf32>
    %slice3A_553 = vector.extract_strided_slice %add3A_459 {offsets = [0, 10], sizes = [128, 1], strides = [1, 1]} : vector<128x64xf32> to vector<128x1xf32>
    %get3A_554 = arith.constant 10 : index
    %get3A_555 = arith.constant 0 : index
    %get3A_556 = vector.load %arg9[%get3A_554, %get3A_555] : memref<64x512xf32, #tpu.memory_space<vmem>>, vector<1x512xf32>
    %sub3A_557 = vector.broadcast %slice3A_553 : vector<128x1xf32> to vector<128x512xf32>
    %sub3A_558 = vector.broadcast %get3A_556 : vector<1x512xf32> to vector<128x512xf32>
    %sub3A_559 = arith.subf %sub3A_557, %sub3A_558 : vector<128x512xf32>
    %integer_pow3A_560 = arith.mulf %sub3A_559, %sub3A_559 : vector<128x512xf32>
    %add3A_561 = arith.addf %add3A_552, %integer_pow3A_560 : vector<128x512xf32>
    %slice3A_562 = vector.extract_strided_slice %add3A_459 {offsets = [0, 11], sizes = [128, 1], strides = [1, 1]} : vector<128x64xf32> to vector<128x1xf32>
    %get3A_563 = arith.constant 11 : index
    %get3A_564 = arith.constant 0 : index
    %get3A_565 = vector.load %arg9[%get3A_563, %get3A_564] : memref<64x512xf32, #tpu.memory_space<vmem>>, vector<1x512xf32>
    %sub3A_566 = vector.broadcast %slice3A_562 : vector<128x1xf32> to vector<128x512xf32>
    %sub3A_567 = vector.broadcast %get3A_565 : vector<1x512xf32> to vector<128x512xf32>
    %sub3A_568 = arith.subf %sub3A_566, %sub3A_567 : vector<128x512xf32>
    %integer_pow3A_569 = arith.mulf %sub3A_568, %sub3A_568 : vector<128x512xf32>
    %add3A_570 = arith.addf %add3A_561, %integer_pow3A_569 : vector<128x512xf32>
    %slice3A_571 = vector.extract_strided_slice %add3A_459 {offsets = [0, 12], sizes = [128, 1], strides = [1, 1]} : vector<128x64xf32> to vector<128x1xf32>
    %get3A_572 = arith.constant 12 : index
    %get3A_573 = arith.constant 0 : index
    %get3A_574 = vector.load %arg9[%get3A_572, %get3A_573] : memref<64x512xf32, #tpu.memory_space<vmem>>, vector<1x512xf32>
    %sub3A_575 = vector.broadcast %slice3A_571 : vector<128x1xf32> to vector<128x512xf32>
    %sub3A_576 = vector.broadcast %get3A_574 : vector<1x512xf32> to vector<128x512xf32>
    %sub3A_577 = arith.subf %sub3A_575, %sub3A_576 : vector<128x512xf32>
    %integer_pow3A_578 = arith.mulf %sub3A_577, %sub3A_577 : vector<128x512xf32>
    %add3A_579 = arith.addf %add3A_570, %integer_pow3A_578 : vector<128x512xf32>
    %slice3A_580 = vector.extract_strided_slice %add3A_459 {offsets = [0, 13], sizes = [128, 1], strides = [1, 1]} : vector<128x64xf32> to vector<128x1xf32>
    %get3A_581 = arith.constant 13 : index
    %get3A_582 = arith.constant 0 : index
    %get3A_583 = vector.load %arg9[%get3A_581, %get3A_582] : memref<64x512xf32, #tpu.memory_space<vmem>>, vector<1x512xf32>
    %sub3A_584 = vector.broadcast %slice3A_580 : vector<128x1xf32> to vector<128x512xf32>
    %sub3A_585 = vector.broadcast %get3A_583 : vector<1x512xf32> to vector<128x512xf32>
    %sub3A_586 = arith.subf %sub3A_584, %sub3A_585 : vector<128x512xf32>
    %integer_pow3A_587 = arith.mulf %sub3A_586, %sub3A_586 : vector<128x512xf32>
    %add3A_588 = arith.addf %add3A_579, %integer_pow3A_587 : vector<128x512xf32>
    %slice3A_589 = vector.extract_strided_slice %add3A_459 {offsets = [0, 14], sizes = [128, 1], strides = [1, 1]} : vector<128x64xf32> to vector<128x1xf32>
    %get3A_590 = arith.constant 14 : index
    %get3A_591 = arith.constant 0 : index
    %get3A_592 = vector.load %arg9[%get3A_590, %get3A_591] : memref<64x512xf32, #tpu.memory_space<vmem>>, vector<1x512xf32>
    %sub3A_593 = vector.broadcast %slice3A_589 : vector<128x1xf32> to vector<128x512xf32>
    %sub3A_594 = vector.broadcast %get3A_592 : vector<1x512xf32> to vector<128x512xf32>
    %sub3A_595 = arith.subf %sub3A_593, %sub3A_594 : vector<128x512xf32>
    %integer_pow3A_596 = arith.mulf %sub3A_595, %sub3A_595 : vector<128x512xf32>
    %add3A_597 = arith.addf %add3A_588, %integer_pow3A_596 : vector<128x512xf32>
    %slice3A_598 = vector.extract_strided_slice %add3A_459 {offsets = [0, 15], sizes = [128, 1], strides = [1, 1]} : vector<128x64xf32> to vector<128x1xf32>
    %get3A_599 = arith.constant 15 : index
    %get3A_600 = arith.constant 0 : index
    %get3A_601 = vector.load %arg9[%get3A_599, %get3A_600] : memref<64x512xf32, #tpu.memory_space<vmem>>, vector<1x512xf32>
    %sub3A_602 = vector.broadcast %slice3A_598 : vector<128x1xf32> to vector<128x512xf32>
    %sub3A_603 = vector.broadcast %get3A_601 : vector<1x512xf32> to vector<128x512xf32>
    %sub3A_604 = arith.subf %sub3A_602, %sub3A_603 : vector<128x512xf32>
    %integer_pow3A_605 = arith.mulf %sub3A_604, %sub3A_604 : vector<128x512xf32>
    %add3A_606 = arith.addf %add3A_597, %integer_pow3A_605 : vector<128x512xf32>
    %slice3A_607 = vector.extract_strided_slice %add3A_459 {offsets = [0, 16], sizes = [128, 1], strides = [1, 1]} : vector<128x64xf32> to vector<128x1xf32>
    %get3A_608 = arith.constant 16 : index
    %get3A_609 = arith.constant 0 : index
    %get3A_610 = vector.load %arg9[%get3A_608, %get3A_609] : memref<64x512xf32, #tpu.memory_space<vmem>>, vector<1x512xf32>
    %sub3A_611 = vector.broadcast %slice3A_607 : vector<128x1xf32> to vector<128x512xf32>
    %sub3A_612 = vector.broadcast %get3A_610 : vector<1x512xf32> to vector<128x512xf32>
    %sub3A_613 = arith.subf %sub3A_611, %sub3A_612 : vector<128x512xf32>
    %integer_pow3A_614 = arith.mulf %sub3A_613, %sub3A_613 : vector<128x512xf32>
    %add3A_615 = arith.addf %add3A_606, %integer_pow3A_614 : vector<128x512xf32>
    %slice3A_616 = vector.extract_strided_slice %add3A_459 {offsets = [0, 17], sizes = [128, 1], strides = [1, 1]} : vector<128x64xf32> to vector<128x1xf32>
    %get3A_617 = arith.constant 17 : index
    %get3A_618 = arith.constant 0 : index
    %get3A_619 = vector.load %arg9[%get3A_617, %get3A_618] : memref<64x512xf32, #tpu.memory_space<vmem>>, vector<1x512xf32>
    %sub3A_620 = vector.broadcast %slice3A_616 : vector<128x1xf32> to vector<128x512xf32>
    %sub3A_621 = vector.broadcast %get3A_619 : vector<1x512xf32> to vector<128x512xf32>
    %sub3A_622 = arith.subf %sub3A_620, %sub3A_621 : vector<128x512xf32>
    %integer_pow3A_623 = arith.mulf %sub3A_622, %sub3A_622 : vector<128x512xf32>
    %add3A_624 = arith.addf %add3A_615, %integer_pow3A_623 : vector<128x512xf32>
    %slice3A_625 = vector.extract_strided_slice %add3A_459 {offsets = [0, 18], sizes = [128, 1], strides = [1, 1]} : vector<128x64xf32> to vector<128x1xf32>
    %get3A_626 = arith.constant 18 : index
    %get3A_627 = arith.constant 0 : index
    %get3A_628 = vector.load %arg9[%get3A_626, %get3A_627] : memref<64x512xf32, #tpu.memory_space<vmem>>, vector<1x512xf32>
    %sub3A_629 = vector.broadcast %slice3A_625 : vector<128x1xf32> to vector<128x512xf32>
    %sub3A_630 = vector.broadcast %get3A_628 : vector<1x512xf32> to vector<128x512xf32>
    %sub3A_631 = arith.subf %sub3A_629, %sub3A_630 : vector<128x512xf32>
    %integer_pow3A_632 = arith.mulf %sub3A_631, %sub3A_631 : vector<128x512xf32>
    %add3A_633 = arith.addf %add3A_624, %integer_pow3A_632 : vector<128x512xf32>
    %slice3A_634 = vector.extract_strided_slice %add3A_459 {offsets = [0, 19], sizes = [128, 1], strides = [1, 1]} : vector<128x64xf32> to vector<128x1xf32>
    %get3A_635 = arith.constant 19 : index
    %get3A_636 = arith.constant 0 : index
    %get3A_637 = vector.load %arg9[%get3A_635, %get3A_636] : memref<64x512xf32, #tpu.memory_space<vmem>>, vector<1x512xf32>
    %sub3A_638 = vector.broadcast %slice3A_634 : vector<128x1xf32> to vector<128x512xf32>
    %sub3A_639 = vector.broadcast %get3A_637 : vector<1x512xf32> to vector<128x512xf32>
    %sub3A_640 = arith.subf %sub3A_638, %sub3A_639 : vector<128x512xf32>
    %integer_pow3A_641 = arith.mulf %sub3A_640, %sub3A_640 : vector<128x512xf32>
    %add3A_642 = arith.addf %add3A_633, %integer_pow3A_641 : vector<128x512xf32>
    %slice3A_643 = vector.extract_strided_slice %add3A_459 {offsets = [0, 20], sizes = [128, 1], strides = [1, 1]} : vector<128x64xf32> to vector<128x1xf32>
    %get3A_644 = arith.constant 20 : index
    %get3A_645 = arith.constant 0 : index
    %get3A_646 = vector.load %arg9[%get3A_644, %get3A_645] : memref<64x512xf32, #tpu.memory_space<vmem>>, vector<1x512xf32>
    %sub3A_647 = vector.broadcast %slice3A_643 : vector<128x1xf32> to vector<128x512xf32>
    %sub3A_648 = vector.broadcast %get3A_646 : vector<1x512xf32> to vector<128x512xf32>
    %sub3A_649 = arith.subf %sub3A_647, %sub3A_648 : vector<128x512xf32>
    %integer_pow3A_650 = arith.mulf %sub3A_649, %sub3A_649 : vector<128x512xf32>
    %add3A_651 = arith.addf %add3A_642, %integer_pow3A_650 : vector<128x512xf32>
    %slice3A_652 = vector.extract_strided_slice %add3A_459 {offsets = [0, 21], sizes = [128, 1], strides = [1, 1]} : vector<128x64xf32> to vector<128x1xf32>
    %get3A_653 = arith.constant 21 : index
    %get3A_654 = arith.constant 0 : index
    %get3A_655 = vector.load %arg9[%get3A_653, %get3A_654] : memref<64x512xf32, #tpu.memory_space<vmem>>, vector<1x512xf32>
    %sub3A_656 = vector.broadcast %slice3A_652 : vector<128x1xf32> to vector<128x512xf32>
    %sub3A_657 = vector.broadcast %get3A_655 : vector<1x512xf32> to vector<128x512xf32>
    %sub3A_658 = arith.subf %sub3A_656, %sub3A_657 : vector<128x512xf32>
    %integer_pow3A_659 = arith.mulf %sub3A_658, %sub3A_658 : vector<128x512xf32>
    %add3A_660 = arith.addf %add3A_651, %integer_pow3A_659 : vector<128x512xf32>
    %slice3A_661 = vector.extract_strided_slice %add3A_459 {offsets = [0, 22], sizes = [128, 1], strides = [1, 1]} : vector<128x64xf32> to vector<128x1xf32>
    %get3A_662 = arith.constant 22 : index
    %get3A_663 = arith.constant 0 : index
    %get3A_664 = vector.load %arg9[%get3A_662, %get3A_663] : memref<64x512xf32, #tpu.memory_space<vmem>>, vector<1x512xf32>
    %sub3A_665 = vector.broadcast %slice3A_661 : vector<128x1xf32> to vector<128x512xf32>
    %sub3A_666 = vector.broadcast %get3A_664 : vector<1x512xf32> to vector<128x512xf32>
    %sub3A_667 = arith.subf %sub3A_665, %sub3A_666 : vector<128x512xf32>
    %integer_pow3A_668 = arith.mulf %sub3A_667, %sub3A_667 : vector<128x512xf32>
    %add3A_669 = arith.addf %add3A_660, %integer_pow3A_668 : vector<128x512xf32>
    %slice3A_670 = vector.extract_strided_slice %add3A_459 {offsets = [0, 23], sizes = [128, 1], strides = [1, 1]} : vector<128x64xf32> to vector<128x1xf32>
    %get3A_671 = arith.constant 23 : index
    %get3A_672 = arith.constant 0 : index
    %get3A_673 = vector.load %arg9[%get3A_671, %get3A_672] : memref<64x512xf32, #tpu.memory_space<vmem>>, vector<1x512xf32>
    %sub3A_674 = vector.broadcast %slice3A_670 : vector<128x1xf32> to vector<128x512xf32>
    %sub3A_675 = vector.broadcast %get3A_673 : vector<1x512xf32> to vector<128x512xf32>
    %sub3A_676 = arith.subf %sub3A_674, %sub3A_675 : vector<128x512xf32>
    %integer_pow3A_677 = arith.mulf %sub3A_676, %sub3A_676 : vector<128x512xf32>
    %add3A_678 = arith.addf %add3A_669, %integer_pow3A_677 : vector<128x512xf32>
    %slice3A_679 = vector.extract_strided_slice %add3A_459 {offsets = [0, 24], sizes = [128, 1], strides = [1, 1]} : vector<128x64xf32> to vector<128x1xf32>
    %get3A_680 = arith.constant 24 : index
    %get3A_681 = arith.constant 0 : index
    %get3A_682 = vector.load %arg9[%get3A_680, %get3A_681] : memref<64x512xf32, #tpu.memory_space<vmem>>, vector<1x512xf32>
    %sub3A_683 = vector.broadcast %slice3A_679 : vector<128x1xf32> to vector<128x512xf32>
    %sub3A_684 = vector.broadcast %get3A_682 : vector<1x512xf32> to vector<128x512xf32>
    %sub3A_685 = arith.subf %sub3A_683, %sub3A_684 : vector<128x512xf32>
    %integer_pow3A_686 = arith.mulf %sub3A_685, %sub3A_685 : vector<128x512xf32>
    %add3A_687 = arith.addf %add3A_678, %integer_pow3A_686 : vector<128x512xf32>
    %slice3A_688 = vector.extract_strided_slice %add3A_459 {offsets = [0, 25], sizes = [128, 1], strides = [1, 1]} : vector<128x64xf32> to vector<128x1xf32>
    %get3A_689 = arith.constant 25 : index
    %get3A_690 = arith.constant 0 : index
    %get3A_691 = vector.load %arg9[%get3A_689, %get3A_690] : memref<64x512xf32, #tpu.memory_space<vmem>>, vector<1x512xf32>
    %sub3A_692 = vector.broadcast %slice3A_688 : vector<128x1xf32> to vector<128x512xf32>
    %sub3A_693 = vector.broadcast %get3A_691 : vector<1x512xf32> to vector<128x512xf32>
    %sub3A_694 = arith.subf %sub3A_692, %sub3A_693 : vector<128x512xf32>
    %integer_pow3A_695 = arith.mulf %sub3A_694, %sub3A_694 : vector<128x512xf32>
    %add3A_696 = arith.addf %add3A_687, %integer_pow3A_695 : vector<128x512xf32>
    %slice3A_697 = vector.extract_strided_slice %add3A_459 {offsets = [0, 26], sizes = [128, 1], strides = [1, 1]} : vector<128x64xf32> to vector<128x1xf32>
    %get3A_698 = arith.constant 26 : index
    %get3A_699 = arith.constant 0 : index
    %get3A_700 = vector.load %arg9[%get3A_698, %get3A_699] : memref<64x512xf32, #tpu.memory_space<vmem>>, vector<1x512xf32>
    %sub3A_701 = vector.broadcast %slice3A_697 : vector<128x1xf32> to vector<128x512xf32>
    %sub3A_702 = vector.broadcast %get3A_700 : vector<1x512xf32> to vector<128x512xf32>
    %sub3A_703 = arith.subf %sub3A_701, %sub3A_702 : vector<128x512xf32>
    %integer_pow3A_704 = arith.mulf %sub3A_703, %sub3A_703 : vector<128x512xf32>
    %add3A_705 = arith.addf %add3A_696, %integer_pow3A_704 : vector<128x512xf32>
    %slice3A_706 = vector.extract_strided_slice %add3A_459 {offsets = [0, 27], sizes = [128, 1], strides = [1, 1]} : vector<128x64xf32> to vector<128x1xf32>
    %get3A_707 = arith.constant 27 : index
    %get3A_708 = arith.constant 0 : index
    %get3A_709 = vector.load %arg9[%get3A_707, %get3A_708] : memref<64x512xf32, #tpu.memory_space<vmem>>, vector<1x512xf32>
    %sub3A_710 = vector.broadcast %slice3A_706 : vector<128x1xf32> to vector<128x512xf32>
    %sub3A_711 = vector.broadcast %get3A_709 : vector<1x512xf32> to vector<128x512xf32>
    %sub3A_712 = arith.subf %sub3A_710, %sub3A_711 : vector<128x512xf32>
    %integer_pow3A_713 = arith.mulf %sub3A_712, %sub3A_712 : vector<128x512xf32>
    %add3A_714 = arith.addf %add3A_705, %integer_pow3A_713 : vector<128x512xf32>
    %slice3A_715 = vector.extract_strided_slice %add3A_459 {offsets = [0, 28], sizes = [128, 1], strides = [1, 1]} : vector<128x64xf32> to vector<128x1xf32>
    %get3A_716 = arith.constant 28 : index
    %get3A_717 = arith.constant 0 : index
    %get3A_718 = vector.load %arg9[%get3A_716, %get3A_717] : memref<64x512xf32, #tpu.memory_space<vmem>>, vector<1x512xf32>
    %sub3A_719 = vector.broadcast %slice3A_715 : vector<128x1xf32> to vector<128x512xf32>
    %sub3A_720 = vector.broadcast %get3A_718 : vector<1x512xf32> to vector<128x512xf32>
    %sub3A_721 = arith.subf %sub3A_719, %sub3A_720 : vector<128x512xf32>
    %integer_pow3A_722 = arith.mulf %sub3A_721, %sub3A_721 : vector<128x512xf32>
    %add3A_723 = arith.addf %add3A_714, %integer_pow3A_722 : vector<128x512xf32>
    %slice3A_724 = vector.extract_strided_slice %add3A_459 {offsets = [0, 29], sizes = [128, 1], strides = [1, 1]} : vector<128x64xf32> to vector<128x1xf32>
    %get3A_725 = arith.constant 29 : index
    %get3A_726 = arith.constant 0 : index
    %get3A_727 = vector.load %arg9[%get3A_725, %get3A_726] : memref<64x512xf32, #tpu.memory_space<vmem>>, vector<1x512xf32>
    %sub3A_728 = vector.broadcast %slice3A_724 : vector<128x1xf32> to vector<128x512xf32>
    %sub3A_729 = vector.broadcast %get3A_727 : vector<1x512xf32> to vector<128x512xf32>
    %sub3A_730 = arith.subf %sub3A_728, %sub3A_729 : vector<128x512xf32>
    %integer_pow3A_731 = arith.mulf %sub3A_730, %sub3A_730 : vector<128x512xf32>
    %add3A_732 = arith.addf %add3A_723, %integer_pow3A_731 : vector<128x512xf32>
    %slice3A_733 = vector.extract_strided_slice %add3A_459 {offsets = [0, 30], sizes = [128, 1], strides = [1, 1]} : vector<128x64xf32> to vector<128x1xf32>
    %get3A_734 = arith.constant 30 : index
    %get3A_735 = arith.constant 0 : index
    %get3A_736 = vector.load %arg9[%get3A_734, %get3A_735] : memref<64x512xf32, #tpu.memory_space<vmem>>, vector<1x512xf32>
    %sub3A_737 = vector.broadcast %slice3A_733 : vector<128x1xf32> to vector<128x512xf32>
    %sub3A_738 = vector.broadcast %get3A_736 : vector<1x512xf32> to vector<128x512xf32>
    %sub3A_739 = arith.subf %sub3A_737, %sub3A_738 : vector<128x512xf32>
    %integer_pow3A_740 = arith.mulf %sub3A_739, %sub3A_739 : vector<128x512xf32>
    %add3A_741 = arith.addf %add3A_732, %integer_pow3A_740 : vector<128x512xf32>
    %slice3A_742 = vector.extract_strided_slice %add3A_459 {offsets = [0, 31], sizes = [128, 1], strides = [1, 1]} : vector<128x64xf32> to vector<128x1xf32>
    %get3A_743 = arith.constant 31 : index
    %get3A_744 = arith.constant 0 : index
    %get3A_745 = vector.load %arg9[%get3A_743, %get3A_744] : memref<64x512xf32, #tpu.memory_space<vmem>>, vector<1x512xf32>
    %sub3A_746 = vector.broadcast %slice3A_742 : vector<128x1xf32> to vector<128x512xf32>
    %sub3A_747 = vector.broadcast %get3A_745 : vector<1x512xf32> to vector<128x512xf32>
    %sub3A_748 = arith.subf %sub3A_746, %sub3A_747 : vector<128x512xf32>
    %integer_pow3A_749 = arith.mulf %sub3A_748, %sub3A_748 : vector<128x512xf32>
    %add3A_750 = arith.addf %add3A_741, %integer_pow3A_749 : vector<128x512xf32>
    %slice3A_751 = vector.extract_strided_slice %add3A_459 {offsets = [0, 32], sizes = [128, 1], strides = [1, 1]} : vector<128x64xf32> to vector<128x1xf32>
    %get3A_752 = arith.constant 32 : index
    %get3A_753 = arith.constant 0 : index
    %get3A_754 = vector.load %arg9[%get3A_752, %get3A_753] : memref<64x512xf32, #tpu.memory_space<vmem>>, vector<1x512xf32>
    %sub3A_755 = vector.broadcast %slice3A_751 : vector<128x1xf32> to vector<128x512xf32>
    %sub3A_756 = vector.broadcast %get3A_754 : vector<1x512xf32> to vector<128x512xf32>
    %sub3A_757 = arith.subf %sub3A_755, %sub3A_756 : vector<128x512xf32>
    %integer_pow3A_758 = arith.mulf %sub3A_757, %sub3A_757 : vector<128x512xf32>
    %add3A_759 = arith.addf %add3A_750, %integer_pow3A_758 : vector<128x512xf32>
    %slice3A_760 = vector.extract_strided_slice %add3A_459 {offsets = [0, 33], sizes = [128, 1], strides = [1, 1]} : vector<128x64xf32> to vector<128x1xf32>
    %get3A_761 = arith.constant 33 : index
    %get3A_762 = arith.constant 0 : index
    %get3A_763 = vector.load %arg9[%get3A_761, %get3A_762] : memref<64x512xf32, #tpu.memory_space<vmem>>, vector<1x512xf32>
    %sub3A_764 = vector.broadcast %slice3A_760 : vector<128x1xf32> to vector<128x512xf32>
    %sub3A_765 = vector.broadcast %get3A_763 : vector<1x512xf32> to vector<128x512xf32>
    %sub3A_766 = arith.subf %sub3A_764, %sub3A_765 : vector<128x512xf32>
    %integer_pow3A_767 = arith.mulf %sub3A_766, %sub3A_766 : vector<128x512xf32>
    %add3A_768 = arith.addf %add3A_759, %integer_pow3A_767 : vector<128x512xf32>
    %slice3A_769 = vector.extract_strided_slice %add3A_459 {offsets = [0, 34], sizes = [128, 1], strides = [1, 1]} : vector<128x64xf32> to vector<128x1xf32>
    %get3A_770 = arith.constant 34 : index
    %get3A_771 = arith.constant 0 : index
    %get3A_772 = vector.load %arg9[%get3A_770, %get3A_771] : memref<64x512xf32, #tpu.memory_space<vmem>>, vector<1x512xf32>
    %sub3A_773 = vector.broadcast %slice3A_769 : vector<128x1xf32> to vector<128x512xf32>
    %sub3A_774 = vector.broadcast %get3A_772 : vector<1x512xf32> to vector<128x512xf32>
    %sub3A_775 = arith.subf %sub3A_773, %sub3A_774 : vector<128x512xf32>
    %integer_pow3A_776 = arith.mulf %sub3A_775, %sub3A_775 : vector<128x512xf32>
    %add3A_777 = arith.addf %add3A_768, %integer_pow3A_776 : vector<128x512xf32>
    %slice3A_778 = vector.extract_strided_slice %add3A_459 {offsets = [0, 35], sizes = [128, 1], strides = [1, 1]} : vector<128x64xf32> to vector<128x1xf32>
    %get3A_779 = arith.constant 35 : index
    %get3A_780 = arith.constant 0 : index
    %get3A_781 = vector.load %arg9[%get3A_779, %get3A_780] : memref<64x512xf32, #tpu.memory_space<vmem>>, vector<1x512xf32>
    %sub3A_782 = vector.broadcast %slice3A_778 : vector<128x1xf32> to vector<128x512xf32>
    %sub3A_783 = vector.broadcast %get3A_781 : vector<1x512xf32> to vector<128x512xf32>
    %sub3A_784 = arith.subf %sub3A_782, %sub3A_783 : vector<128x512xf32>
    %integer_pow3A_785 = arith.mulf %sub3A_784, %sub3A_784 : vector<128x512xf32>
    %add3A_786 = arith.addf %add3A_777, %integer_pow3A_785 : vector<128x512xf32>
    %slice3A_787 = vector.extract_strided_slice %add3A_459 {offsets = [0, 36], sizes = [128, 1], strides = [1, 1]} : vector<128x64xf32> to vector<128x1xf32>
    %get3A_788 = arith.constant 36 : index
    %get3A_789 = arith.constant 0 : index
    %get3A_790 = vector.load %arg9[%get3A_788, %get3A_789] : memref<64x512xf32, #tpu.memory_space<vmem>>, vector<1x512xf32>
    %sub3A_791 = vector.broadcast %slice3A_787 : vector<128x1xf32> to vector<128x512xf32>
    %sub3A_792 = vector.broadcast %get3A_790 : vector<1x512xf32> to vector<128x512xf32>
    %sub3A_793 = arith.subf %sub3A_791, %sub3A_792 : vector<128x512xf32>
    %integer_pow3A_794 = arith.mulf %sub3A_793, %sub3A_793 : vector<128x512xf32>
    %add3A_795 = arith.addf %add3A_786, %integer_pow3A_794 : vector<128x512xf32>
    %slice3A_796 = vector.extract_strided_slice %add3A_459 {offsets = [0, 37], sizes = [128, 1], strides = [1, 1]} : vector<128x64xf32> to vector<128x1xf32>
    %get3A_797 = arith.constant 37 : index
    %get3A_798 = arith.constant 0 : index
    %get3A_799 = vector.load %arg9[%get3A_797, %get3A_798] : memref<64x512xf32, #tpu.memory_space<vmem>>, vector<1x512xf32>
    %sub3A_800 = vector.broadcast %slice3A_796 : vector<128x1xf32> to vector<128x512xf32>
    %sub3A_801 = vector.broadcast %get3A_799 : vector<1x512xf32> to vector<128x512xf32>
    %sub3A_802 = arith.subf %sub3A_800, %sub3A_801 : vector<128x512xf32>
    %integer_pow3A_803 = arith.mulf %sub3A_802, %sub3A_802 : vector<128x512xf32>
    %add3A_804 = arith.addf %add3A_795, %integer_pow3A_803 : vector<128x512xf32>
    %slice3A_805 = vector.extract_strided_slice %add3A_459 {offsets = [0, 38], sizes = [128, 1], strides = [1, 1]} : vector<128x64xf32> to vector<128x1xf32>
    %get3A_806 = arith.constant 38 : index
    %get3A_807 = arith.constant 0 : index
    %get3A_808 = vector.load %arg9[%get3A_806, %get3A_807] : memref<64x512xf32, #tpu.memory_space<vmem>>, vector<1x512xf32>
    %sub3A_809 = vector.broadcast %slice3A_805 : vector<128x1xf32> to vector<128x512xf32>
    %sub3A_810 = vector.broadcast %get3A_808 : vector<1x512xf32> to vector<128x512xf32>
    %sub3A_811 = arith.subf %sub3A_809, %sub3A_810 : vector<128x512xf32>
    %integer_pow3A_812 = arith.mulf %sub3A_811, %sub3A_811 : vector<128x512xf32>
    %add3A_813 = arith.addf %add3A_804, %integer_pow3A_812 : vector<128x512xf32>
    %slice3A_814 = vector.extract_strided_slice %add3A_459 {offsets = [0, 39], sizes = [128, 1], strides = [1, 1]} : vector<128x64xf32> to vector<128x1xf32>
    %get3A_815 = arith.constant 39 : index
    %get3A_816 = arith.constant 0 : index
    %get3A_817 = vector.load %arg9[%get3A_815, %get3A_816] : memref<64x512xf32, #tpu.memory_space<vmem>>, vector<1x512xf32>
    %sub3A_818 = vector.broadcast %slice3A_814 : vector<128x1xf32> to vector<128x512xf32>
    %sub3A_819 = vector.broadcast %get3A_817 : vector<1x512xf32> to vector<128x512xf32>
    %sub3A_820 = arith.subf %sub3A_818, %sub3A_819 : vector<128x512xf32>
    %integer_pow3A_821 = arith.mulf %sub3A_820, %sub3A_820 : vector<128x512xf32>
    %add3A_822 = arith.addf %add3A_813, %integer_pow3A_821 : vector<128x512xf32>
    %slice3A_823 = vector.extract_strided_slice %add3A_459 {offsets = [0, 40], sizes = [128, 1], strides = [1, 1]} : vector<128x64xf32> to vector<128x1xf32>
    %get3A_824 = arith.constant 40 : index
    %get3A_825 = arith.constant 0 : index
    %get3A_826 = vector.load %arg9[%get3A_824, %get3A_825] : memref<64x512xf32, #tpu.memory_space<vmem>>, vector<1x512xf32>
    %sub3A_827 = vector.broadcast %slice3A_823 : vector<128x1xf32> to vector<128x512xf32>
    %sub3A_828 = vector.broadcast %get3A_826 : vector<1x512xf32> to vector<128x512xf32>
    %sub3A_829 = arith.subf %sub3A_827, %sub3A_828 : vector<128x512xf32>
    %integer_pow3A_830 = arith.mulf %sub3A_829, %sub3A_829 : vector<128x512xf32>
    %add3A_831 = arith.addf %add3A_822, %integer_pow3A_830 : vector<128x512xf32>
    %slice3A_832 = vector.extract_strided_slice %add3A_459 {offsets = [0, 41], sizes = [128, 1], strides = [1, 1]} : vector<128x64xf32> to vector<128x1xf32>
    %get3A_833 = arith.constant 41 : index
    %get3A_834 = arith.constant 0 : index
    %get3A_835 = vector.load %arg9[%get3A_833, %get3A_834] : memref<64x512xf32, #tpu.memory_space<vmem>>, vector<1x512xf32>
    %sub3A_836 = vector.broadcast %slice3A_832 : vector<128x1xf32> to vector<128x512xf32>
    %sub3A_837 = vector.broadcast %get3A_835 : vector<1x512xf32> to vector<128x512xf32>
    %sub3A_838 = arith.subf %sub3A_836, %sub3A_837 : vector<128x512xf32>
    %integer_pow3A_839 = arith.mulf %sub3A_838, %sub3A_838 : vector<128x512xf32>
    %add3A_840 = arith.addf %add3A_831, %integer_pow3A_839 : vector<128x512xf32>
    %slice3A_841 = vector.extract_strided_slice %add3A_459 {offsets = [0, 42], sizes = [128, 1], strides = [1, 1]} : vector<128x64xf32> to vector<128x1xf32>
    %get3A_842 = arith.constant 42 : index
    %get3A_843 = arith.constant 0 : index
    %get3A_844 = vector.load %arg9[%get3A_842, %get3A_843] : memref<64x512xf32, #tpu.memory_space<vmem>>, vector<1x512xf32>
    %sub3A_845 = vector.broadcast %slice3A_841 : vector<128x1xf32> to vector<128x512xf32>
    %sub3A_846 = vector.broadcast %get3A_844 : vector<1x512xf32> to vector<128x512xf32>
    %sub3A_847 = arith.subf %sub3A_845, %sub3A_846 : vector<128x512xf32>
    %integer_pow3A_848 = arith.mulf %sub3A_847, %sub3A_847 : vector<128x512xf32>
    %add3A_849 = arith.addf %add3A_840, %integer_pow3A_848 : vector<128x512xf32>
    %slice3A_850 = vector.extract_strided_slice %add3A_459 {offsets = [0, 43], sizes = [128, 1], strides = [1, 1]} : vector<128x64xf32> to vector<128x1xf32>
    %get3A_851 = arith.constant 43 : index
    %get3A_852 = arith.constant 0 : index
    %get3A_853 = vector.load %arg9[%get3A_851, %get3A_852] : memref<64x512xf32, #tpu.memory_space<vmem>>, vector<1x512xf32>
    %sub3A_854 = vector.broadcast %slice3A_850 : vector<128x1xf32> to vector<128x512xf32>
    %sub3A_855 = vector.broadcast %get3A_853 : vector<1x512xf32> to vector<128x512xf32>
    %sub3A_856 = arith.subf %sub3A_854, %sub3A_855 : vector<128x512xf32>
    %integer_pow3A_857 = arith.mulf %sub3A_856, %sub3A_856 : vector<128x512xf32>
    %add3A_858 = arith.addf %add3A_849, %integer_pow3A_857 : vector<128x512xf32>
    %slice3A_859 = vector.extract_strided_slice %add3A_459 {offsets = [0, 44], sizes = [128, 1], strides = [1, 1]} : vector<128x64xf32> to vector<128x1xf32>
    %get3A_860 = arith.constant 44 : index
    %get3A_861 = arith.constant 0 : index
    %get3A_862 = vector.load %arg9[%get3A_860, %get3A_861] : memref<64x512xf32, #tpu.memory_space<vmem>>, vector<1x512xf32>
    %sub3A_863 = vector.broadcast %slice3A_859 : vector<128x1xf32> to vector<128x512xf32>
    %sub3A_864 = vector.broadcast %get3A_862 : vector<1x512xf32> to vector<128x512xf32>
    %sub3A_865 = arith.subf %sub3A_863, %sub3A_864 : vector<128x512xf32>
    %integer_pow3A_866 = arith.mulf %sub3A_865, %sub3A_865 : vector<128x512xf32>
    %add3A_867 = arith.addf %add3A_858, %integer_pow3A_866 : vector<128x512xf32>
    %slice3A_868 = vector.extract_strided_slice %add3A_459 {offsets = [0, 45], sizes = [128, 1], strides = [1, 1]} : vector<128x64xf32> to vector<128x1xf32>
    %get3A_869 = arith.constant 45 : index
    %get3A_870 = arith.constant 0 : index
    %get3A_871 = vector.load %arg9[%get3A_869, %get3A_870] : memref<64x512xf32, #tpu.memory_space<vmem>>, vector<1x512xf32>
    %sub3A_872 = vector.broadcast %slice3A_868 : vector<128x1xf32> to vector<128x512xf32>
    %sub3A_873 = vector.broadcast %get3A_871 : vector<1x512xf32> to vector<128x512xf32>
    %sub3A_874 = arith.subf %sub3A_872, %sub3A_873 : vector<128x512xf32>
    %integer_pow3A_875 = arith.mulf %sub3A_874, %sub3A_874 : vector<128x512xf32>
    %add3A_876 = arith.addf %add3A_867, %integer_pow3A_875 : vector<128x512xf32>
    %slice3A_877 = vector.extract_strided_slice %add3A_459 {offsets = [0, 46], sizes = [128, 1], strides = [1, 1]} : vector<128x64xf32> to vector<128x1xf32>
    %get3A_878 = arith.constant 46 : index
    %get3A_879 = arith.constant 0 : index
    %get3A_880 = vector.load %arg9[%get3A_878, %get3A_879] : memref<64x512xf32, #tpu.memory_space<vmem>>, vector<1x512xf32>
    %sub3A_881 = vector.broadcast %slice3A_877 : vector<128x1xf32> to vector<128x512xf32>
    %sub3A_882 = vector.broadcast %get3A_880 : vector<1x512xf32> to vector<128x512xf32>
    %sub3A_883 = arith.subf %sub3A_881, %sub3A_882 : vector<128x512xf32>
    %integer_pow3A_884 = arith.mulf %sub3A_883, %sub3A_883 : vector<128x512xf32>
    %add3A_885 = arith.addf %add3A_876, %integer_pow3A_884 : vector<128x512xf32>
    %slice3A_886 = vector.extract_strided_slice %add3A_459 {offsets = [0, 47], sizes = [128, 1], strides = [1, 1]} : vector<128x64xf32> to vector<128x1xf32>
    %get3A_887 = arith.constant 47 : index
    %get3A_888 = arith.constant 0 : index
    %get3A_889 = vector.load %arg9[%get3A_887, %get3A_888] : memref<64x512xf32, #tpu.memory_space<vmem>>, vector<1x512xf32>
    %sub3A_890 = vector.broadcast %slice3A_886 : vector<128x1xf32> to vector<128x512xf32>
    %sub3A_891 = vector.broadcast %get3A_889 : vector<1x512xf32> to vector<128x512xf32>
    %sub3A_892 = arith.subf %sub3A_890, %sub3A_891 : vector<128x512xf32>
    %integer_pow3A_893 = arith.mulf %sub3A_892, %sub3A_892 : vector<128x512xf32>
    %add3A_894 = arith.addf %add3A_885, %integer_pow3A_893 : vector<128x512xf32>
    %slice3A_895 = vector.extract_strided_slice %add3A_459 {offsets = [0, 48], sizes = [128, 1], strides = [1, 1]} : vector<128x64xf32> to vector<128x1xf32>
    %get3A_896 = arith.constant 48 : index
    %get3A_897 = arith.constant 0 : index
    %get3A_898 = vector.load %arg9[%get3A_896, %get3A_897] : memref<64x512xf32, #tpu.memory_space<vmem>>, vector<1x512xf32>
    %sub3A_899 = vector.broadcast %slice3A_895 : vector<128x1xf32> to vector<128x512xf32>
    %sub3A_900 = vector.broadcast %get3A_898 : vector<1x512xf32> to vector<128x512xf32>
    %sub3A_901 = arith.subf %sub3A_899, %sub3A_900 : vector<128x512xf32>
    %integer_pow3A_902 = arith.mulf %sub3A_901, %sub3A_901 : vector<128x512xf32>
    %add3A_903 = arith.addf %add3A_894, %integer_pow3A_902 : vector<128x512xf32>
    %slice3A_904 = vector.extract_strided_slice %add3A_459 {offsets = [0, 49], sizes = [128, 1], strides = [1, 1]} : vector<128x64xf32> to vector<128x1xf32>
    %get3A_905 = arith.constant 49 : index
    %get3A_906 = arith.constant 0 : index
    %get3A_907 = vector.load %arg9[%get3A_905, %get3A_906] : memref<64x512xf32, #tpu.memory_space<vmem>>, vector<1x512xf32>
    %sub3A_908 = vector.broadcast %slice3A_904 : vector<128x1xf32> to vector<128x512xf32>
    %sub3A_909 = vector.broadcast %get3A_907 : vector<1x512xf32> to vector<128x512xf32>
    %sub3A_910 = arith.subf %sub3A_908, %sub3A_909 : vector<128x512xf32>
    %integer_pow3A_911 = arith.mulf %sub3A_910, %sub3A_910 : vector<128x512xf32>
    %add3A_912 = arith.addf %add3A_903, %integer_pow3A_911 : vector<128x512xf32>
    %slice3A_913 = vector.extract_strided_slice %add3A_459 {offsets = [0, 50], sizes = [128, 1], strides = [1, 1]} : vector<128x64xf32> to vector<128x1xf32>
    %get3A_914 = arith.constant 50 : index
    %get3A_915 = arith.constant 0 : index
    %get3A_916 = vector.load %arg9[%get3A_914, %get3A_915] : memref<64x512xf32, #tpu.memory_space<vmem>>, vector<1x512xf32>
    %sub3A_917 = vector.broadcast %slice3A_913 : vector<128x1xf32> to vector<128x512xf32>
    %sub3A_918 = vector.broadcast %get3A_916 : vector<1x512xf32> to vector<128x512xf32>
    %sub3A_919 = arith.subf %sub3A_917, %sub3A_918 : vector<128x512xf32>
    %integer_pow3A_920 = arith.mulf %sub3A_919, %sub3A_919 : vector<128x512xf32>
    %add3A_921 = arith.addf %add3A_912, %integer_pow3A_920 : vector<128x512xf32>
    %slice3A_922 = vector.extract_strided_slice %add3A_459 {offsets = [0, 51], sizes = [128, 1], strides = [1, 1]} : vector<128x64xf32> to vector<128x1xf32>
    %get3A_923 = arith.constant 51 : index
    %get3A_924 = arith.constant 0 : index
    %get3A_925 = vector.load %arg9[%get3A_923, %get3A_924] : memref<64x512xf32, #tpu.memory_space<vmem>>, vector<1x512xf32>
    %sub3A_926 = vector.broadcast %slice3A_922 : vector<128x1xf32> to vector<128x512xf32>
    %sub3A_927 = vector.broadcast %get3A_925 : vector<1x512xf32> to vector<128x512xf32>
    %sub3A_928 = arith.subf %sub3A_926, %sub3A_927 : vector<128x512xf32>
    %integer_pow3A_929 = arith.mulf %sub3A_928, %sub3A_928 : vector<128x512xf32>
    %add3A_930 = arith.addf %add3A_921, %integer_pow3A_929 : vector<128x512xf32>
    %slice3A_931 = vector.extract_strided_slice %add3A_459 {offsets = [0, 52], sizes = [128, 1], strides = [1, 1]} : vector<128x64xf32> to vector<128x1xf32>
    %get3A_932 = arith.constant 52 : index
    %get3A_933 = arith.constant 0 : index
    %get3A_934 = vector.load %arg9[%get3A_932, %get3A_933] : memref<64x512xf32, #tpu.memory_space<vmem>>, vector<1x512xf32>
    %sub3A_935 = vector.broadcast %slice3A_931 : vector<128x1xf32> to vector<128x512xf32>
    %sub3A_936 = vector.broadcast %get3A_934 : vector<1x512xf32> to vector<128x512xf32>
    %sub3A_937 = arith.subf %sub3A_935, %sub3A_936 : vector<128x512xf32>
    %integer_pow3A_938 = arith.mulf %sub3A_937, %sub3A_937 : vector<128x512xf32>
    %add3A_939 = arith.addf %add3A_930, %integer_pow3A_938 : vector<128x512xf32>
    %slice3A_940 = vector.extract_strided_slice %add3A_459 {offsets = [0, 53], sizes = [128, 1], strides = [1, 1]} : vector<128x64xf32> to vector<128x1xf32>
    %get3A_941 = arith.constant 53 : index
    %get3A_942 = arith.constant 0 : index
    %get3A_943 = vector.load %arg9[%get3A_941, %get3A_942] : memref<64x512xf32, #tpu.memory_space<vmem>>, vector<1x512xf32>
    %sub3A_944 = vector.broadcast %slice3A_940 : vector<128x1xf32> to vector<128x512xf32>
    %sub3A_945 = vector.broadcast %get3A_943 : vector<1x512xf32> to vector<128x512xf32>
    %sub3A_946 = arith.subf %sub3A_944, %sub3A_945 : vector<128x512xf32>
    %integer_pow3A_947 = arith.mulf %sub3A_946, %sub3A_946 : vector<128x512xf32>
    %add3A_948 = arith.addf %add3A_939, %integer_pow3A_947 : vector<128x512xf32>
    %slice3A_949 = vector.extract_strided_slice %add3A_459 {offsets = [0, 54], sizes = [128, 1], strides = [1, 1]} : vector<128x64xf32> to vector<128x1xf32>
    %get3A_950 = arith.constant 54 : index
    %get3A_951 = arith.constant 0 : index
    %get3A_952 = vector.load %arg9[%get3A_950, %get3A_951] : memref<64x512xf32, #tpu.memory_space<vmem>>, vector<1x512xf32>
    %sub3A_953 = vector.broadcast %slice3A_949 : vector<128x1xf32> to vector<128x512xf32>
    %sub3A_954 = vector.broadcast %get3A_952 : vector<1x512xf32> to vector<128x512xf32>
    %sub3A_955 = arith.subf %sub3A_953, %sub3A_954 : vector<128x512xf32>
    %integer_pow3A_956 = arith.mulf %sub3A_955, %sub3A_955 : vector<128x512xf32>
    %add3A_957 = arith.addf %add3A_948, %integer_pow3A_956 : vector<128x512xf32>
    %slice3A_958 = vector.extract_strided_slice %add3A_459 {offsets = [0, 55], sizes = [128, 1], strides = [1, 1]} : vector<128x64xf32> to vector<128x1xf32>
    %get3A_959 = arith.constant 55 : index
    %get3A_960 = arith.constant 0 : index
    %get3A_961 = vector.load %arg9[%get3A_959, %get3A_960] : memref<64x512xf32, #tpu.memory_space<vmem>>, vector<1x512xf32>
    %sub3A_962 = vector.broadcast %slice3A_958 : vector<128x1xf32> to vector<128x512xf32>
    %sub3A_963 = vector.broadcast %get3A_961 : vector<1x512xf32> to vector<128x512xf32>
    %sub3A_964 = arith.subf %sub3A_962, %sub3A_963 : vector<128x512xf32>
    %integer_pow3A_965 = arith.mulf %sub3A_964, %sub3A_964 : vector<128x512xf32>
    %add3A_966 = arith.addf %add3A_957, %integer_pow3A_965 : vector<128x512xf32>
    %slice3A_967 = vector.extract_strided_slice %add3A_459 {offsets = [0, 56], sizes = [128, 1], strides = [1, 1]} : vector<128x64xf32> to vector<128x1xf32>
    %get3A_968 = arith.constant 56 : index
    %get3A_969 = arith.constant 0 : index
    %get3A_970 = vector.load %arg9[%get3A_968, %get3A_969] : memref<64x512xf32, #tpu.memory_space<vmem>>, vector<1x512xf32>
    %sub3A_971 = vector.broadcast %slice3A_967 : vector<128x1xf32> to vector<128x512xf32>
    %sub3A_972 = vector.broadcast %get3A_970 : vector<1x512xf32> to vector<128x512xf32>
    %sub3A_973 = arith.subf %sub3A_971, %sub3A_972 : vector<128x512xf32>
    %integer_pow3A_974 = arith.mulf %sub3A_973, %sub3A_973 : vector<128x512xf32>
    %add3A_975 = arith.addf %add3A_966, %integer_pow3A_974 : vector<128x512xf32>
    %slice3A_976 = vector.extract_strided_slice %add3A_459 {offsets = [0, 57], sizes = [128, 1], strides = [1, 1]} : vector<128x64xf32> to vector<128x1xf32>
    %get3A_977 = arith.constant 57 : index
    %get3A_978 = arith.constant 0 : index
    %get3A_979 = vector.load %arg9[%get3A_977, %get3A_978] : memref<64x512xf32, #tpu.memory_space<vmem>>, vector<1x512xf32>
    %sub3A_980 = vector.broadcast %slice3A_976 : vector<128x1xf32> to vector<128x512xf32>
    %sub3A_981 = vector.broadcast %get3A_979 : vector<1x512xf32> to vector<128x512xf32>
    %sub3A_982 = arith.subf %sub3A_980, %sub3A_981 : vector<128x512xf32>
    %integer_pow3A_983 = arith.mulf %sub3A_982, %sub3A_982 : vector<128x512xf32>
    %add3A_984 = arith.addf %add3A_975, %integer_pow3A_983 : vector<128x512xf32>
    %slice3A_985 = vector.extract_strided_slice %add3A_459 {offsets = [0, 58], sizes = [128, 1], strides = [1, 1]} : vector<128x64xf32> to vector<128x1xf32>
    %get3A_986 = arith.constant 58 : index
    %get3A_987 = arith.constant 0 : index
    %get3A_988 = vector.load %arg9[%get3A_986, %get3A_987] : memref<64x512xf32, #tpu.memory_space<vmem>>, vector<1x512xf32>
    %sub3A_989 = vector.broadcast %slice3A_985 : vector<128x1xf32> to vector<128x512xf32>
    %sub3A_990 = vector.broadcast %get3A_988 : vector<1x512xf32> to vector<128x512xf32>
    %sub3A_991 = arith.subf %sub3A_989, %sub3A_990 : vector<128x512xf32>
    %integer_pow3A_992 = arith.mulf %sub3A_991, %sub3A_991 : vector<128x512xf32>
    %add3A_993 = arith.addf %add3A_984, %integer_pow3A_992 : vector<128x512xf32>
    %slice3A_994 = vector.extract_strided_slice %add3A_459 {offsets = [0, 59], sizes = [128, 1], strides = [1, 1]} : vector<128x64xf32> to vector<128x1xf32>
    %get3A_995 = arith.constant 59 : index
    %get3A_996 = arith.constant 0 : index
    %get3A_997 = vector.load %arg9[%get3A_995, %get3A_996] : memref<64x512xf32, #tpu.memory_space<vmem>>, vector<1x512xf32>
    %sub3A_998 = vector.broadcast %slice3A_994 : vector<128x1xf32> to vector<128x512xf32>
    %sub3A_999 = vector.broadcast %get3A_997 : vector<1x512xf32> to vector<128x512xf32>
    %sub3A_1000 = arith.subf %sub3A_998, %sub3A_999 : vector<128x512xf32>
    %integer_pow3A_1001 = arith.mulf %sub3A_1000, %sub3A_1000 : vector<128x512xf32>
    %add3A_1002 = arith.addf %add3A_993, %integer_pow3A_1001 : vector<128x512xf32>
    %slice3A_1003 = vector.extract_strided_slice %add3A_459 {offsets = [0, 60], sizes = [128, 1], strides = [1, 1]} : vector<128x64xf32> to vector<128x1xf32>
    %get3A_1004 = arith.constant 60 : index
    %get3A_1005 = arith.constant 0 : index
    %get3A_1006 = vector.load %arg9[%get3A_1004, %get3A_1005] : memref<64x512xf32, #tpu.memory_space<vmem>>, vector<1x512xf32>
    %sub3A_1007 = vector.broadcast %slice3A_1003 : vector<128x1xf32> to vector<128x512xf32>
    %sub3A_1008 = vector.broadcast %get3A_1006 : vector<1x512xf32> to vector<128x512xf32>
    %sub3A_1009 = arith.subf %sub3A_1007, %sub3A_1008 : vector<128x512xf32>
    %integer_pow3A_1010 = arith.mulf %sub3A_1009, %sub3A_1009 : vector<128x512xf32>
    %add3A_1011 = arith.addf %add3A_1002, %integer_pow3A_1010 : vector<128x512xf32>
    %slice3A_1012 = vector.extract_strided_slice %add3A_459 {offsets = [0, 61], sizes = [128, 1], strides = [1, 1]} : vector<128x64xf32> to vector<128x1xf32>
    %get3A_1013 = arith.constant 61 : index
    %get3A_1014 = arith.constant 0 : index
    %get3A_1015 = vector.load %arg9[%get3A_1013, %get3A_1014] : memref<64x512xf32, #tpu.memory_space<vmem>>, vector<1x512xf32>
    %sub3A_1016 = vector.broadcast %slice3A_1012 : vector<128x1xf32> to vector<128x512xf32>
    %sub3A_1017 = vector.broadcast %get3A_1015 : vector<1x512xf32> to vector<128x512xf32>
    %sub3A_1018 = arith.subf %sub3A_1016, %sub3A_1017 : vector<128x512xf32>
    %integer_pow3A_1019 = arith.mulf %sub3A_1018, %sub3A_1018 : vector<128x512xf32>
    %add3A_1020 = arith.addf %add3A_1011, %integer_pow3A_1019 : vector<128x512xf32>
    %slice3A_1021 = vector.extract_strided_slice %add3A_459 {offsets = [0, 62], sizes = [128, 1], strides = [1, 1]} : vector<128x64xf32> to vector<128x1xf32>
    %get3A_1022 = arith.constant 62 : index
    %get3A_1023 = arith.constant 0 : index
    %get3A_1024 = vector.load %arg9[%get3A_1022, %get3A_1023] : memref<64x512xf32, #tpu.memory_space<vmem>>, vector<1x512xf32>
    %sub3A_1025 = vector.broadcast %slice3A_1021 : vector<128x1xf32> to vector<128x512xf32>
    %sub3A_1026 = vector.broadcast %get3A_1024 : vector<1x512xf32> to vector<128x512xf32>
    %sub3A_1027 = arith.subf %sub3A_1025, %sub3A_1026 : vector<128x512xf32>
    %integer_pow3A_1028 = arith.mulf %sub3A_1027, %sub3A_1027 : vector<128x512xf32>
    %add3A_1029 = arith.addf %add3A_1020, %integer_pow3A_1028 : vector<128x512xf32>
    %slice3A_1030 = vector.extract_strided_slice %add3A_459 {offsets = [0, 63], sizes = [128, 1], strides = [1, 1]} : vector<128x64xf32> to vector<128x1xf32>
    %get3A_1031 = arith.constant 63 : index
    %get3A_1032 = arith.constant 0 : index
    %get3A_1033 = vector.load %arg9[%get3A_1031, %get3A_1032] : memref<64x512xf32, #tpu.memory_space<vmem>>, vector<1x512xf32>
    %sub3A_1034 = vector.broadcast %slice3A_1030 : vector<128x1xf32> to vector<128x512xf32>
    %sub3A_1035 = vector.broadcast %get3A_1033 : vector<1x512xf32> to vector<128x512xf32>
    %sub3A_1036 = arith.subf %sub3A_1034, %sub3A_1035 : vector<128x512xf32>
    %integer_pow3A_1037 = arith.mulf %sub3A_1036, %sub3A_1036 : vector<128x512xf32>
    %add3A_1038 = arith.addf %add3A_1029, %integer_pow3A_1037 : vector<128x512xf32>
    %sqrt3A = math.sqrt %add3A_1038 : vector<128x512xf32>
    %iota3A_1039 = tpu.iota {dimensions = array<i32: 1>} : vector<128x512xi32>
    %reduce_min3A = arith.constant dense<0x7F800000> : vector<128xf32>
    %reduce_min3A_1040 = vector.multi_reduction <minimumf>, %sqrt3A, %reduce_min3A [1] : vector<128x512xf32> to vector<128xf32>
    %broadcast_in_dim3A_1041 = vector.shape_cast %reduce_min3A_1040 : vector<128xf32> to vector<128x1xf32>
    %eq3A = vector.broadcast %broadcast_in_dim3A_1041 : vector<128x1xf32> to vector<128x512xf32>
    %eq3A_1042 = arith.cmpf oeq, %sqrt3A, %eq3A : vector<128x512xf32>
    %jit3A = arith.constant 512 : i32
    %broadcast_in_dim3A_1043 = vector.broadcast %jit3A : i32 to vector<128x512xi32>
    %select_n3A = arith.select %eq3A_1042, %iota3A_1039, %broadcast_in_dim3A_1043 : vector<128x512xi1>, vector<128x512xi32>
    %reduce_min3A_1044 = arith.constant dense<2147483647> : vector<128xi32>
    %reduce_min3A_1045 = vector.multi_reduction <minsi>, %select_n3A, %reduce_min3A_1044 [1] : vector<128x512xi32> to vector<128xi32>
    %broadcast_in_dim3A_1046 = vector.shape_cast %reduce_min3A_1045 : vector<128xi32> to vector<128x1xi32>
    %swap3A_1047 = arith.constant 0 : index
    %swap3A_1048 = arith.constant 0 : index
    %swap3A_1049 = vector.load %arg12[%swap3A_1047, %swap3A_1048] : memref<128x1xi32, #tpu.memory_space<vmem>>, vector<128x1xi32>
    tpu.vector_store %arg12[%swap3A_1047, %swap3A_1048], %broadcast_in_dim3A_1046 {strides = array<i32>} : memref<128x1xi32, #tpu.memory_space<vmem>>, vector<128x1xi32>,
    return
  }
}

</mosaic_0001>

<sc_bundles>
// kernel: kernel.6.cloned.1.call-start
scs
__scs_entry_jumppad:
0x0: {  	(pc) =	sbr.rel $0x88, $3  }
0x1: {  	(tag) =	ssettag $0x0;
	lr =	simm.s32 $0x1  }
0x2: {  	[smem:$0x3F94] =	sst lr;
	_ =	strace $0xD0000000  }
0x3: {  	_ = 	snop  }
0x4: {  	_ = 	snop  }
0x5: {  	_ = 	snop  }
0x6: {  	_ = 	snop  }
0x7: {  	_ = 	snop  }
__scs_overlays_trampoline_lowered:
0x8: {  	[smem:$0x3FA3] =	sst s0  }
0x9: {  	[smem:$0x3FA4] =	sst s1  }
0xa: {  	[smem:$0x3FA5] =	sst s2  }
0xb: {  	[smem:$0x3FA6] =	sst s3  }
0xc: {  	[smem:$0x3FA7] =	sst s4  }
0xd: {  	[smem:$0x3FA8] =	sst s5  }
0xe: {  	[smem:$0x3FA9] =	sst s6  }
0xf: {  	[smem:$0x3FAA] =	sst s7  }
0x10: {  	[smem:$0x3FAB] =	sst s8  }
0x11: {  	[smem:$0x3FAC] =	sst s9;
	s0 =	simm.s32 @!p0 $0x0  }
0x12: {  	s1 =	sld [smem:$0x3F92];
	s0 =	simm.s32 @p0 $0x1  }
0x13: {  	[smem:$0x3FAD] =	sst s0;
	s0 =	simm.s32 @!p1 $0x0  }
0x14: {  	s2 =	sld [smem:$0x3F91];
	s0 =	simm.s32 @p1 $0x1  }
0x15: {  	[smem:$0x3FAE] =	sst s0;
	s0 =	simm.s32 @!p2 $0x0  }
0x16: {  	s3 =	sld [smem:$0x3FDB];
	s0 =	simm.s32 @p2 $0x1  }
0x17: {  	s4 =	simm.s32 $0x1BF5;
	[smem:$0x3FB0] =	sst s0  }
0x18: {  	s0 =	sld [smem:$0x3F93];
	_ =	swait.ge [sflag:s4], $0x0  }
0x19: {  	s7 =	sld [smem:$0x3F94]  }
0x1a: {  	s8 =	sadd.s32 $0xFFFFE003, lr  }
0x1b: {  	s9 =	sadd.s32 $0xFFFFFEF7, lr;
	s5 =	simm.s32 $0xFFFFFFFF;
	p2 =	slt.u32 s8, $0xFFFFF086  }
0x1c: {  	p1 =	slt.u32 s9, $0xF7A;
	s5 =	simm.s32 @!p2 $0x0  }
0x1d: {  	s5 =	simm.s32 @p1 $0x1;
	p0 =	seq.s32 s7, s2  }
0x1e: {  	s7 =	smul.u32 @!p0 $0xF7A, s2;
	p2 =	seq.s32 @!p0 s5, $0x0  }
0x1f: {  	s9 =	smul.u32 $0xF7A, s1;
	s8 =	simm.s32 @!p0 $0x1BF5;
	p2 =	por !p2, p0  }
0x20: {  	[sflag:s8] =	ssyncset.s32 @!p0 $0xFFFFF086;
	s6 =	sadd.s32 @!p0 s3, s7;
	s7 =	simm.s32 @!p0 $0x108  }
0x21: {  	s3 =	sadd.s32 s3, s9;
	s6 =	sadd.s32 @!p0 $0x88, s6;
	s7 =	simm.s32 @p2 $0x1082  }
0x22: {  	[simem:s7], [sflag:s8] =	dma.local @!p0 [hbm:s6], $0xF7A  }
0x23: {  	s9 =	sor.u32 $0xD0000000, s2;
	s6 =	simm.s32 $0x108;
	_ =	swait.ge @!p0 [sflag:s8], $0x0  }
0x24: {  	s3 =	sadd.s32 $0x88, s3;
	s6 =	simm.s32 @!p1 $0x1082;
	[sflag:s4] =	ssyncset.s32 $0xFFFFF086  }
0x25: {  	[simem:s6], [sflag:s4] =	dma.local [hbm:s3], $0xF7A  }
0x26: {  	[smem:$0x3F94] =	sst s1;
	(tag) =	ssettag s2;
	_ =	strace s9  }
0x27: {  	s1 =	sld [smem:$0x3FA4]  }
0x28: {  	s2 =	sld [smem:$0x3FA5]  }
0x29: {  	s4 =	sld [smem:$0x3FA7]  }
0x2a: {  	p0 =	seq.s32 s5, $0x0;
	s5 =	sld [smem:$0x3FA8]  }
0x2b: {  	s6 =	sld [smem:$0x3FA9]  }
0x2c: {  	s7 =	sld [smem:$0x3FAA]  }
0x2d: {  	s3 =	simm.s32 $0x108;
	s8 =	sld [smem:$0x3FAB]  }
0x2e: {  	s3 =	simm.s32 @!p0 $0x1082;
	s9 =	sld [smem:$0x3FAC]  }
0x2f: {  	lr =	sadd.s32 s0, s3;
	s0 =	sld [smem:$0x3FA3]  }
0x30: {  	s3 =	sld [smem:$0x3FA6]  }
0x31: {  	[smem:$0x3FAF] =	sst s10  }
0x32: {  	s10 =	sld [smem:$0x3FAD];
	_ =	sdelay $0x3  }
0x33: {  	p0 =	seq.s32 s10, $0x1;
	s10 =	sld [smem:$0x3FAF];
	_ =	sdelay $0x3  }
0x34: {  	[smem:$0x3FAF] =	sst s10  }
0x35: {  	s10 =	sld [smem:$0x3FAE];
	_ =	sdelay $0x3  }
0x36: {  	p1 =	seq.s32 s10, $0x1;
	s10 =	sld [smem:$0x3FAF];
	_ =	sdelay $0x3  }
0x37: {  	[smem:$0x3FAF] =	sst s10  }
0x38: {  	s10 =	sld [smem:$0x3FB0]  }
0x39: {  	_ = 	snop;
	(pc) =	sbr.ind lr, $3  }
0x3a: {  	_ = 	snop  }
0x3b: {  	_ = 	snop  }
0x3c: {  	p2 =	seq.s32 s10, $0x1;
	s10 =	sld [smem:$0x3FAF]  }
0x3d: {  	_ =	shalt  }
0x3e: {  	_ =	shalt  }
0x3f: {  	_ =	shalt  }
0x40: {  	_ =	shalt  }
0x41: {  	_ =	shalt  }
0x42: {  	_ =	shalt  }
0x43: {  	_ =	shalt  }
0x44: {  	_ =	shalt  }
0x45: {  	_ =	shalt  }
0x46: {  	_ =	shalt  }
0x47: {  	_ =	shalt  }
0x48: {  	_ =	shalt  }
0x49: {  	_ =	shalt  }
0x4a: {  	_ =	shalt  }
0x4b: {  	_ =	shalt  }
0x4c: {  	_ =	shalt  }
0x4d: {  	_ =	shalt  }
0x4e: {  	_ =	shalt  }
0x4f: {  	_ =	shalt  }
0x50: {  	_ =	shalt  }
0x51: {  	_ =	shalt  }
0x52: {  	_ =	shalt  }
0x53: {  	_ =	shalt  }
0x54: {  	_ =	shalt  }
0x55: {  	_ =	shalt  }
0x56: {  	_ =	shalt  }
0x57: {  	_ =	shalt  }
0x58: {  	_ =	shalt  }
0x59: {  	_ =	shalt  }
0x5a: {  	_ =	shalt  }
0x5b: {  	_ =	shalt  }
0x5c: {  	_ =	shalt  }
0x5d: {  	_ =	shalt  }
0x5e: {  	_ =	shalt  }
0x5f: {  	_ =	shalt  }
0x60: {  	_ =	shalt  }
0x61: {  	_ =	shalt  }
0x62: {  	_ =	shalt  }
0x63: {  	_ =	shalt  }
0x64: {  	_ =	shalt  }
0x65: {  	_ =	shalt  }
0x66: {  	_ =	shalt  }
0x67: {  	_ =	shalt  }
0x68: {  	_ =	shalt  }
0x69: {  	_ =	shalt  }
0x6a: {  	_ =	shalt  }
0x6b: {  	_ =	shalt  }
0x6c: {  	_ =	shalt  }
0x6d: {  	_ =	shalt  }
0x6e: {  	_ =	shalt  }
0x6f: {  	_ =	shalt  }
0x70: {  	_ =	shalt  }
0x71: {  	_ =	shalt  }
0x72: {  	_ =	shalt  }
0x73: {  	_ =	shalt  }
0x74: {  	_ =	shalt  }
0x75: {  	_ =	shalt  }
0x76: {  	_ =	shalt  }
0x77: {  	_ =	shalt  }
0x78: {  	_ =	shalt  }
0x79: {  	_ =	shalt  }
0x7a: {  	_ =	shalt  }
0x7b: {  	_ =	shalt  }
0x7c: {  	_ =	shalt  }
0x7d: {  	_ =	shalt  }
0x7e: {  	_ =	shalt  }
0x7f: {  	_ =	shalt  }
0x80: {  	_ =	shalt  }
0x81: {  	_ =	shalt  }
0x82: {  	_ =	shalt  }
0x83: {  	_ =	shalt  }
0x84: {  	_ =	shalt  }
0x85: {  	_ =	shalt  }
0x86: {  	_ =	shalt  }
0x87: {  	_ =	shalt  }
.Lfunc_end0:
.L_simem_size_0:
called_computation_lowered:
.L_overlay_start_0:
0x88: {  	s0 =	sld [smem:$0x3FD9]  }
0x89: {  	s1 =	sld [smem:$0x3FFE];
	_ =	sdelay $0x3  }
0x8a: {  	s0 =	sadd.s32 s1, s0  }
0x8b: {  	[smem:$0x3FBB] =	sst s0  }
0x8c: {  	_ = 	snop  }
0x8d: {  	s0 =	sld [smem:$0x3FD0];
	_ =	sdelay $0x2  }
0x8e: {  	s2 =	simm.s32 $0xA;
	s3 =	simm.s32 $0x10;
	s14 =	sld [smem:$0x3FC6]  }
0x8f: {  	[smem:s3], [sflag:s2] =	dma.local [hbm:s0], $0x1  }
0x90: {  	_ =	swait.eq [sflag:s2], $0x1  }
0x91: {  	[sflag:s2] =	ssyncset.done $0x0  }
0x92: {  	s15 =	sld [smem:$0x12];
	[sflag:s2] =	ssyncadd.s32 $0xFFFFFFFF  }
0x93: {  	s16 =	sld [smem:$0x13];
	(tm) =	ssettm $0x1  }
0x94: {  	s17 =	sld [smem:$0x3FFB];
	_ =	sdelay $0x3  }
0x95: {  	_ =	strace s17  }
0x96: {  	s3 =	sld [smem:$0x3FFC];
	_ =	sdelay $0x3  }
0x97: {  	_ =	strace s3  }
0x98: {  	s3 =	sld [smem:$0x3FFD];
	_ =	sdelay $0x3  }
0x99: {  	_ =	strace s3  }
0x9a: {  	_ =	strace $0x8FFFFFFF  }
0x9b: {  	s18 =	sld [smem:$0x3FDB];
	_ =	sdelay $0x1  }
0x9c: {  	s4 =	simm.s32 $_scs_section_size  }
0x9d: {  	s5 =	simm.s32 $_size__tile_overlayer_lowered;
	s6 =	simm.s32 $_tile_overlayer_lowered  }
0x9e: {  	s21 =	simm.s32 $0x1BFF;
	s20 =	sshll.u32 s6, $0x1;
	s3 =	sadd.s32 s4, s18  }
0x9f: {  	s7 =	simm.s32 $0x0;
	s19 =	sshll.u32 s5, $0x1;
	s5 =	sadd.s32 s20, s3  }
0xa0: {  	[timem:s7], [sflag:s21] =	dma.local [hbm:s5], s19  }
0xa1: {  	_ =	swait.ge [sflag:s21], s19  }
0xa2: {  	s4 =	ssub.s32 $0x0, s19;
	[sflag:s21] =	ssyncset.done $0x0  }
0xa3: {  	[sflag:s21] =	ssyncadd.s32 s4;
	_ =	sdelay $0x1  }
0xa4: {  	s22 =	simm.s32 $0x1B8B  }
0xa5: {  	_ =	swait.ge [sflag:s22], $0x1  }
0xa6: {  	[sflag:s22] =	ssyncset.done $0x0  }
0xa7: {  	s23 =	simm.s32 $0x1B8E;
	[sflag:s22] =	ssyncadd.s32 $0xFFFFFFFF  }
0xa8: {  	s24 =	simm.s32 $execute0_lowered;
	[smem:$0x3FD2] =	sst s23  }
0xa9: {  	s4 =	sshll.u32 s24, $0x1;
	_ =	strace $0x80000046;
	[dreg:$0x1] =	wrdreg $0xFFFFFFFF  }
0xaa: {  	s25 =	simm.s32 $_size_execute0_lowered;
	s3 =	sadd.s32 s3, s4;
	[dreg:$0x0] =	wrdreg $0x0  }
0xab: {  	s4 =	sshll.u32 s25, $0x1;
	[dreg:$0x2] =	wrdreg s3  }
0xac: {  	[dreg:$0x3] =	wrdreg s4  }
0xad: {  	[dreg:$0x4] =	wrdreg $0xC0  }
0xae: {  	_ =	task [dreg:s7], $0x5FFFF  }
0xaf: {  	[dreg:$0x1] =	wrdreg $0xFFFFFFFF  }
0xb0: {  	[dreg:$0x0] =	wrdreg $0x60  }
0xb1: {  	[dreg:$0x2] =	wrdreg s15  }
0xb2: {  	[dreg:$0x3] =	wrdreg s14  }
0xb3: {  	[dreg:$0x4] =	wrdreg s16  }
0xb4: {  	[dreg:$0x5] =	wrdreg $0x9  }
0xb5: {  	_ =	task.clear_ibuf [dreg:s7], $0x6FFFF;
	_ =	strace $0x90000046  }
0xb6: {  	s26 =	simm.s32 $0x9;
	_ =	strace $0x80000048  }
0xb7: {  	_ =	swait.ge [sflag:s26], $0x1  }
0xb8: {  	[sflag:s26] =	ssyncadd.s32 $0xFFFFFFFF  }
0xb9: {  	_ =	strace $0x90000048  }
0xba: {  	_ =	sfence  }
0xbb: {  	s28 =	sld [smem:$0x0];
	_ =	sdelay $0x1  }
0xbc: {  	s29 =	srdreg.scid  }
0xbd: {  	s30 =	sshll.u32 s29, $0xD;
	s31 =	sshrl.u32 s29, $0x2  }
0xbe: {  	s1 =	sand.u32 $0x1, s29;
	s2 =	sand.u32 $0x4000, s30;
	s0 =	sadd.s32 s31, s28  }
0xbf: {  	s1 =	sor.u32 s2, s1;
	s0 =	sshll.u32 s0, $0x11  }
0xc0: {  	s0 =	sor.u32 s0, s1  }
0xc1: {  	s0 =	sadd.s32 $0x8F2B, s0  }
0xc2: {  	[sflag:s0] =	ssyncadd.remote.s32 $0x1  }
0xc3: {  	_ =	sfence.sel $0xFFFF  }
0xc4: {  	[dreg:$0x0] =	wrdreg $0xFFFFFFFF;
	(pc) =	sbr.abs _section_cstart, $3  }
0xc5: {  	[dreg:$0x1] =	wrdreg $0xFFFFFFFF  }
0xc6: {  	_ =	task.clear_ibuf [dreg:s7], $0x2FFFF;
	_ =	strace $0x9FFFFFFF  }
0xc7: {  	(tm) =	ssettm $0x7FFFFFFF  }
tec
execute0_lowered:
.L_overlay_start_1:
0x0: {  	(tag) =	ssettag $0x1  }
0x1: {  	s0 =	rddreg [dreg:$0x0]  }
0x2: {  	s1 =	rddreg [dreg:$0x1]  }
0x3: {  	s2 =	rddreg [dreg:$0x2];
	s3 =	stileid.u32  }
0x4: {  	s4 =	rddreg [dreg:$0x3];
	s5 =	simm.s32 $0x0;
	p0 =	sgt.u32 s3, $0x7  }
0x5: {  	[smem:$0x7FF] =	sst s5;
	s5 =	sshll.u32 @!p0 s3, $0x1  }
0x6: {  	_ =	strace $0x80000047;
	s0 =	sadd.s32 @!p0 s0, s5;
	s5 =	simm.s32 @!p0 $0x0  }
0x7: {  	[tilespmem:s5], [sflag:$0x2] =	stream.linear.gather @!p0 [hbm4b:s0+s5], $0x10, $0x38;
	[tilespmem:$0x2080] =	vst v63  }
0x8: {  	s0 =	simm.s32 @!p0 $0x2  }
0x9: {  	_ =	swait.ge @!p0 [sflag:s0], $0x10  }
0xa: {  	[sflag:s0] =	ssyncset.done @!p0 $0x0  }
0xb: {  	[sflag:s0] =	ssyncadd.s32 @!p0 $0xFFFFFFF0  }
0xc: {  	v0 =	vld @!p0 [tilespmem:$0x0];
	_ =	sdelay $0x4  }
0xd: {  	v1 =	vshll.u32 @!p0 v0, $0x2  }
0xe: {  	v2 =	vlaneseq.u32 @!p0;
	v0 =	vand.u32 @!p0 $0x7, v0;
	v1 =	vand.u32 @!p0 $0xFFFFFFE0, v1  }
0xf: {  	v3 =	vshrl.u32 @!p0 v2, $0x3;
	v0 =	vor.u32 @!p0 v0, v1;
	v1 =	vand.u32 @!p0 $0x7, v2  }
0x10: {  	v3 =	vmul.u32 @!p0 $0x8, v3;
	v1 =	vperm.xlane @!p0 v0, v1;
	_ =	sdelay $0x1  }
0x11: {  	v1 =	vadd.s32 @!p0 v3, v1  }
0x12: {  	v2 =	vor.u32 @!p0 $0x8, v2  }
0x13: {  	v0 =	vperm.xlane @!p0 v0, v2;
	_ =	sdelay $0x1  }
0x14: {  	vm0 =	vmmov @!p0 $0xffff;
	s6 =	simm.s32 @!p0 $0x80;
	v0 =	vadd.s32 @!p0 v3, v0  }
0x15: {  	[tilespmem:s6], [sflag:$0x1] =	stream.indirect_vreg.gather @!p0 [hbm4b:s1+s5], $0x80, v1, vm0, $0xb8;
	[tilespmem:$0x2080] =	vst v63  }
0x16: {  	s7 =	sadd.s32 @!p0 $0x100, s1;
	s8 =	simm.s32 @!p0 $0x880  }
0x17: {  	[tilespmem:s8], [sflag:$0x1] =	stream.indirect_vreg.gather @!p0 [hbm4b:s7+s5], $0x80, v1, vm0, $0xb8;
	[tilespmem:$0x2080] =	vst v63  }
0x18: {  	s8 =	simm.s32 @!p0 $0x1080  }
0x19: {  	[tilespmem:s8], [sflag:$0x1] =	stream.indirect_vreg.gather @!p0 [hbm4b:s1+s5], $0x80, v0, vm0, $0xb8;
	[tilespmem:$0x2080] =	vst v63  }
0x1a: {  	s1 =	simm.s32 @!p0 $0x1880  }
0x1b: {  	[tilespmem:s1], [sflag:$0x1] =	stream.indirect_vreg.gather @!p0 [hbm4b:s7+s5], $0x80, v0, vm0, $0xb8;
	[tilespmem:$0x2080] =	vst v63  }
0x1c: {  	s1 =	simm.s32 @!p0 $0x1  }
0x1d: {  	_ =	swait.ge @!p0 [sflag:s1], $0x2000  }
0x1e: {  	s7 =	sshll.u32 @!p0 s3, $0xA;
	[sflag:s1] =	ssyncset.done @!p0 $0x0  }
0x1f: {  	s2 =	sadd.s32 @!p0 s2, s7;
	[sflag:s1] =	ssyncadd.s32 @!p0 $0xFFFFE000  }
0x20: {  	[hbm4b:s2+s5] =	stream.linear.scatter @!p0 [tilespmem:s6], [sflag:$0x2], $0x2000, $0x38;
	[tilespmem:$0x2080] =	vst v63  }
0x21: {  	_ =	swait.ge @!p0 [sflag:s0], $0x2000  }
0x22: {  	[sflag:s0] =	ssyncset.done @!p0 $0x0  }
0x23: {  	[sflag:s0] =	ssyncadd.s32 @!p0 $0xFFFFE000  }
0x24: {  	_ =	sfence.sel $0x180000  }
0x25: {  	[bflag:$0x0] =	sbarrier.arrive $0xFFFF  }
0x26: {  	p0 =	sne.s32 s3, $0x0;
	_ =	strace $0x90000047  }
0x27: {  	s0 =	sadd.s32 @!p0 $0x100000, s4;
	[bflag:$0x2] =	sbarrier.arrive $0xFFFF  }
0x28: {  	[sflag:s0] =	ssyncadd.tile.s32 @!p0 $0x1;
	_ =	shalt  }
.Lfunc_end2:
_tile_overlayer_lowered:
.L_overlay_start_2:
0x29: {  	(tag) =	ssettag $0x2  }
0x2a: {  	s0 =	rddreg [dreg:$0x0];
	s2 =	stileid.u32  }
0x2b: {  	s1 =	rddreg [dreg:$0x1];
	p0 =	sne.s32 s2, $0x0  }
0x2c: {  	s3 =	rddreg [dreg:$0x2];
	[bflag:$0x3] =	sbarrier.arrive $0xFFFF;
	s2 =	simm.s32 @!p0 $0x1C02  }
0x2d: {  	[timem:s3], [sflag:s2] =	dma.local @!p0 [hbm:s0], s1  }
0x2e: {  	s0 =	simm.s32 @!p0 $0x2  }
0x2f: {  	_ =	swait.ge @!p0 [sflag:s0], s1  }
0x30: {  	s1 =	ssub.s32 @!p0 $0x0, s1;
	[sflag:s0] =	ssyncset.done @!p0 $0x0  }
0x31: {  	[sflag:s0] =	ssyncadd.s32 @!p0 s1  }
0x32: {  	[bflag:$0x3] =	sbarrier.arrive $0xFFFF  }
0x33: {  	_ =	shalt  }

</sc_bundles>
